<compile_context>
chip_gen: v7x
topology: tpu7x:2x2x1
jax: 0.10.2.dev20260603
libtpu: 0.0.44.dev20260713+nightly
codegen_flags: <defaults>
</compile_context>

<pallas_src>
import functools

import jax
import jax.numpy as jnp
from jax import lax
from jax.experimental import pallas as pl
from jax.experimental.pallas import tpu as pltpu
from jax.experimental.pallas import tpu_sc as plsc

TOP_K = 8
N_EXPERTS = 64
IN_FEATURES = 1024
OUT_FEATURES = 64
N_TOKENS = 2048

BLK_N = 128
_PAIRS = N_EXPERTS // 2


def _tc_body(f_ref, a_ref, w_ref, bflat_ref, allout_ref, gidx_ref):
    i = pl.program_id(0)
    acc = jnp.dot(f_ref[...].astype(jnp.bfloat16), w_ref[...],
                  preferred_element_type=jnp.float32)
    acc = acc + bflat_ref[...]
    for p in range(_PAIRS):
        allout_ref[p] = acc[:, p * 128:(p + 1) * 128]

    a = a_ref[...]
    lane = lax.broadcasted_iota(jnp.int32, (BLK_N, N_EXPERTS), 1)
    sel = []
    for _ in range(TOP_K):
        m = jnp.min(a, axis=1, keepdims=True)
        cand = jnp.where(a == m, lane, N_EXPERTS)
        amin = jnp.min(cand, axis=1, keepdims=True)
        sel.append(amin)
        a = jnp.where(lane == amin, jnp.inf, a)

    e = jnp.concatenate(sel, axis=1)
    n = i * BLK_N + lax.broadcasted_iota(jnp.int32, (BLK_N, 1), 0)
    gidx_ref[...] = (e >> 1) * (2 * N_TOKENS) + n * 2 + (e & 1)


_N_PAIRS = N_TOKENS * TOP_K
_CHUNK = 128


def _make_sc_gather():
    info = plsc.get_sparse_core_info()
    nc, ns = info.num_cores, info.num_subcores
    nw = nc * ns
    per_w = _N_PAIRS // nw
    n_chunks = per_w // _CHUNK

    @functools.partial(
        pl.kernel,
        mesh=plsc.VectorSubcoreMesh(core_axis_name="c", subcore_axis_name="s"),
        out_type=jax.ShapeDtypeStruct((_N_PAIRS, OUT_FEATURES), jnp.float32),
        scratch_types=[
            pltpu.VMEM((per_w,), jnp.int32),
            pltpu.VMEM((per_w, OUT_FEATURES), jnp.float32),
            pltpu.SemaphoreType.DMA,
        ],
        compiler_params=pltpu.CompilerParams(use_tc_tiling_on_sc=False),
    )
    def sc_gather(allout_hbm, gidx_hbm, out_hbm, idx_v, rows_v, sem):
        wid = lax.axis_index("s") * nc + lax.axis_index("c")
        base = wid * per_w
        pltpu.sync_copy(gidx_hbm.at[pl.ds(base, per_w)], idx_v)
        copies = []
        for j in range(n_chunks):
            copies.append(pltpu.async_copy(
                allout_hbm.at[idx_v.at[pl.ds(j * _CHUNK, _CHUNK)]],
                rows_v.at[pl.ds(j * _CHUNK, _CHUNK), :],
                sem,
            ))
        for c in copies:
            c.wait()
        pltpu.sync_copy(rows_v, out_hbm.at[pl.ds(base, per_w)])

    return sc_gather


_sc_gather = _make_sc_gather()


@jax.jit
def kernel(features, activated, W, b):
    wr = jnp.zeros((IN_FEATURES, N_EXPERTS * OUT_FEATURES), jnp.bfloat16)
    bflat = b.reshape(1, N_EXPERTS * OUT_FEATURES)

    allout, gidx = pl.pallas_call(
        _tc_body,
        grid=(N_TOKENS // BLK_N,),
        in_specs=[
            pl.BlockSpec((BLK_N, IN_FEATURES), lambda i: (i, 0)),
            pl.BlockSpec((BLK_N, N_EXPERTS), lambda i: (i, 0)),
            pl.BlockSpec((IN_FEATURES, N_EXPERTS * OUT_FEATURES),
                         lambda i: (0, 0)),
            pl.BlockSpec((1, N_EXPERTS * OUT_FEATURES), lambda i: (0, 0)),
        ],
        out_specs=[
            pl.BlockSpec((_PAIRS, BLK_N, 128), lambda i: (0, i, 0)),
            pl.BlockSpec((BLK_N, TOP_K), lambda i: (i, 0)),
        ],
        out_shape=[
            jax.ShapeDtypeStruct((_PAIRS, N_TOKENS, 128), jnp.float32),
            jax.ShapeDtypeStruct((N_TOKENS, TOP_K), jnp.int32),
        ],
    )(features, activated, wr, bflat)

    allout_rows = allout.reshape(2 * N_TOKENS * _PAIRS, OUT_FEATURES)
    out = _sc_gather(allout_rows, gidx.reshape(_N_PAIRS))
    return out.reshape(N_TOKENS, TOP_K, OUT_FEATURES)

# --- scband reference (transcript-rebuilt; emitter-appended) ---
"""Pipeline reference for scband-nested-fc-2448131359320 (READ-ONLY COPY).

The authoritative reference and input builder live on the scoring server;
editing this copy changes nothing except your own understanding.
"""

import jax, jax.numpy as jnp
import numpy as np

TOP_K = 8
N_EXPERTS = 64
IN_FEATURES = 1024
OUT_FEATURES = 64
N_TOKENS = 2048

def setup_inputs(seed: int = 0) -> dict:
    key = jax.random.key(seed)
    k1, k2, k3, k4 = jax.random.split(key, 4)
    features = jax.random.normal(k1, (N_TOKENS, IN_FEATURES), dtype=jnp.float32)
    activated = jax.random.normal(k2, (N_TOKENS, N_EXPERTS), dtype=jnp.float32)
    # stacked nn.Linear params for the 64 nested FCs: W[e] is (in, out), b[e] is (out,)
    W = jax.random.normal(k3, (N_EXPERTS, IN_FEATURES, OUT_FEATURES), dtype=jnp.float32) * (1.0 / np.sqrt(IN_FEATURES))
    b = jax.random.normal(k4, (N_EXPERTS, OUT_FEATURES), dtype=jnp.float32) * 0.01
    return {"features": features, "activated": activated, "W": W, "b": b}

def reference(features, activated, W, b):
    # torch: parent_indices = parent_flow_dict.activated.argsort(dim=1)[:, :top_k]
    parent_indices = jnp.argsort(activated, axis=1)[:, :TOP_K]  # [n, k]
    # torch loops i over tokens and applies fcs[parent](features[i:i+1]) for each selected parent.
    # Equivalent math: per-token gather of the selected experts' linear layers.
    all_out = jnp.einsum('ni,eio->neo', features, W) + b[None, :, :]  # [n, E, out]
    out = jnp.take_along_axis(all_out, parent_indices[:, :, None], axis=1)  # [n, k, out]
    return out

if __name__ == "__main__":
    import jax
    _d = setup_inputs()
    print(jax.jit(kernel)(*tuple(_d.values())))

</pallas_src>

<mosaic_0001>
#map = affine_map<(d0, d1) -> (0, 0)>
#map1 = affine_map<(d0, d1) -> (0)>
module attributes {stable_mosaic.version = 14 : i64} {
  func.func @sc_gather(%arg0: i32, %arg1: i32, %arg2: memref<131072x64xf32, #tpu.memory_space<hbm>>, %arg3: memref<16384xi32, #tpu.memory_space<hbm>>, %arg4: memref<16384x64xf32, #tpu.memory_space<hbm>>, %arg5: memref<512xi32, #tpu.memory_space<vmem>>, %arg6: memref<512x64xf32, #tpu.memory_space<vmem>>, %arg7: memref<!tpu.dma_semaphore, #tpu.memory_space<semaphore_mem>>) attributes {dimension_semantics = [#tpu.dimension_semantics<core_parallel>, #tpu.dimension_semantics<subcore_parallel>], iteration_bounds = array<i64: 2, 16>, scalar_prefetch = 0 : i64, scratch_operands = 3 : i64, tpu.core_type = #tpu.core_type<sc_vector_subcore>, window_params = [{transform_indices = #map}, {transform_indices = #map1}, {transform_indices = #map}]} {
    %mul3A = arith.constant 2 : i32
    %mul3A_0 = arith.muli %arg1, %mul3A : i32
    %add3A = arith.addi %mul3A_0, %arg0 : i32
    %mul3A_1 = arith.constant 512 : i32
    %mul3A_2 = arith.muli %add3A, %mul3A_1 : i32
    "tpu.region"() ({
      %run_scoped3A = tpu.sem_alloc : memref<!tpu.dma_semaphore, #tpu.memory_space<semaphore_mem>>
      %dma_start3A_65 = tpu.memref_slice %arg3[%mul3A_2] : memref<16384xi32, #tpu.memory_space<hbm>> -> memref<512xi32, #tpu.memory_space<hbm>>
      %dma_start3A_66 = tpu.memref_slice %arg3[%mul3A_2] : memref<16384xi32, #tpu.memory_space<hbm>> -> memref<512xi32, #tpu.memory_space<hbm>>
      tpu.enqueue_dma source(%dma_start3A_66 : memref<512xi32, #tpu.memory_space<hbm>>) target(%arg5 : memref<512xi32, #tpu.memory_space<vmem>>) target_semaphore(%run_scoped3A : memref<!tpu.dma_semaphore, #tpu.memory_space<semaphore_mem>>)
      %dma_wait3A_67 = tpu.memref_slice %arg3[%mul3A_2] : memref<16384xi32, #tpu.memory_space<hbm>> -> memref<512xi32, #tpu.memory_space<hbm>>
      %dma_wait3A_68 = tpu.memref_slice %arg3[%mul3A_2] : memref<16384xi32, #tpu.memory_space<hbm>> -> memref<512xi32, #tpu.memory_space<hbm>>
      tpu.wait_dma2 semaphore(%run_scoped3A : memref<!tpu.dma_semaphore, #tpu.memory_space<semaphore_mem>>) src(%dma_wait3A_68 : memref<512xi32, #tpu.memory_space<hbm>>) dst(%arg5 : memref<512xi32, #tpu.memory_space<vmem>>)
      tpu.yield
    }) : () -> ()
    %dma_start3A = arith.constant 0 : i32
    %dma_start3A_3 = arith.constant 0 : i32
    %dma_start3A_4 = tpu.memref_slice %arg6[%dma_start3A, %dma_start3A_3] : memref<512x64xf32, #tpu.memory_space<vmem>> -> memref<128x64xf32, #tpu.memory_space<vmem>>
    %dma_start3A_5 = arith.constant 0 : i32
    %dma_start3A_6 = tpu.memref_slice %arg5[%dma_start3A_5] : memref<512xi32, #tpu.memory_space<vmem>> -> memref<128xi32, #tpu.memory_space<vmem>>
    %dma_start3A_7 = arith.constant 0 : i32
    %dma_start3A_8 = arith.constant 0 : i32
    %dma_start3A_9 = tpu.memref_slice %arg2[%dma_start3A_7, %dma_start3A_8] : memref<131072x64xf32, #tpu.memory_space<hbm>> -> memref<131072x64xf32, #tpu.memory_space<hbm>>
    tpu.enqueue_indirect_dma source(%dma_start3A_9 : memref<131072x64xf32, #tpu.memory_space<hbm>>) target(%dma_start3A_4 : memref<128x64xf32, #tpu.memory_space<vmem>>) offsets(%dma_start3A_6 : memref<128xi32, #tpu.memory_space<vmem>>) semaphore(%arg7 : memref<!tpu.dma_semaphore, #tpu.memory_space<semaphore_mem>>)
    %dma_start3A_10 = arith.constant 128 : i32
    %dma_start3A_11 = arith.constant 0 : i32
    %dma_start3A_12 = tpu.memref_slice %arg6[%dma_start3A_10, %dma_start3A_11] : memref<512x64xf32, #tpu.memory_space<vmem>> -> memref<128x64xf32, #tpu.memory_space<vmem>>
    %dma_start3A_13 = arith.constant 128 : i32
    %dma_start3A_14 = tpu.memref_slice %arg5[%dma_start3A_13] : memref<512xi32, #tpu.memory_space<vmem>> -> memref<128xi32, #tpu.memory_space<vmem>>
    %dma_start3A_15 = arith.constant 0 : i32
    %dma_start3A_16 = arith.constant 0 : i32
    %dma_start3A_17 = tpu.memref_slice %arg2[%dma_start3A_15, %dma_start3A_16] : memref<131072x64xf32, #tpu.memory_space<hbm>> -> memref<131072x64xf32, #tpu.memory_space<hbm>>
    tpu.enqueue_indirect_dma source(%dma_start3A_17 : memref<131072x64xf32, #tpu.memory_space<hbm>>) target(%dma_start3A_12 : memref<128x64xf32, #tpu.memory_space<vmem>>) offsets(%dma_start3A_14 : memref<128xi32, #tpu.memory_space<vmem>>) semaphore(%arg7 : memref<!tpu.dma_semaphore, #tpu.memory_space<semaphore_mem>>)
    %dma_start3A_18 = arith.constant 256 : i32
    %dma_start3A_19 = arith.constant 0 : i32
    %dma_start3A_20 = tpu.memref_slice %arg6[%dma_start3A_18, %dma_start3A_19] : memref<512x64xf32, #tpu.memory_space<vmem>> -> memref<128x64xf32, #tpu.memory_space<vmem>>
    %dma_start3A_21 = arith.constant 256 : i32
    %dma_start3A_22 = tpu.memref_slice %arg5[%dma_start3A_21] : memref<512xi32, #tpu.memory_space<vmem>> -> memref<128xi32, #tpu.memory_space<vmem>>
    %dma_start3A_23 = arith.constant 0 : i32
    %dma_start3A_24 = arith.constant 0 : i32
    %dma_start3A_25 = tpu.memref_slice %arg2[%dma_start3A_23, %dma_start3A_24] : memref<131072x64xf32, #tpu.memory_space<hbm>> -> memref<131072x64xf32, #tpu.memory_space<hbm>>
    tpu.enqueue_indirect_dma source(%dma_start3A_25 : memref<131072x64xf32, #tpu.memory_space<hbm>>) target(%dma_start3A_20 : memref<128x64xf32, #tpu.memory_space<vmem>>) offsets(%dma_start3A_22 : memref<128xi32, #tpu.memory_space<vmem>>) semaphore(%arg7 : memref<!tpu.dma_semaphore, #tpu.memory_space<semaphore_mem>>)
    %dma_start3A_26 = arith.constant 384 : i32
    %dma_start3A_27 = arith.constant 0 : i32
    %dma_start3A_28 = tpu.memref_slice %arg6[%dma_start3A_26, %dma_start3A_27] : memref<512x64xf32, #tpu.memory_space<vmem>> -> memref<128x64xf32, #tpu.memory_space<vmem>>
    %dma_start3A_29 = arith.constant 384 : i32
    %dma_start3A_30 = tpu.memref_slice %arg5[%dma_start3A_29] : memref<512xi32, #tpu.memory_space<vmem>> -> memref<128xi32, #tpu.memory_space<vmem>>
    %dma_start3A_31 = arith.constant 0 : i32
    %dma_start3A_32 = arith.constant 0 : i32
    %dma_start3A_33 = tpu.memref_slice %arg2[%dma_start3A_31, %dma_start3A_32] : memref<131072x64xf32, #tpu.memory_space<hbm>> -> memref<131072x64xf32, #tpu.memory_space<hbm>>
    tpu.enqueue_indirect_dma source(%dma_start3A_33 : memref<131072x64xf32, #tpu.memory_space<hbm>>) target(%dma_start3A_28 : memref<128x64xf32, #tpu.memory_space<vmem>>) offsets(%dma_start3A_30 : memref<128xi32, #tpu.memory_space<vmem>>) semaphore(%arg7 : memref<!tpu.dma_semaphore, #tpu.memory_space<semaphore_mem>>)
    %dma_wait3A = arith.constant 0 : i32
    %dma_wait3A_34 = arith.constant 0 : i32
    %dma_wait3A_35 = tpu.memref_slice %arg6[%dma_wait3A, %dma_wait3A_34] : memref<512x64xf32, #tpu.memory_space<vmem>> -> memref<128x64xf32, #tpu.memory_space<vmem>>
    %dma_wait3A_36 = arith.constant 0 : i32
    %dma_wait3A_37 = tpu.memref_slice %arg5[%dma_wait3A_36] : memref<512xi32, #tpu.memory_space<vmem>> -> memref<128xi32, #tpu.memory_space<vmem>>
    %dma_wait3A_38 = arith.constant 0 : i32
    %dma_wait3A_39 = arith.constant 0 : i32
    %dma_wait3A_40 = tpu.memref_slice %arg2[%dma_wait3A_38, %dma_wait3A_39] : memref<131072x64xf32, #tpu.memory_space<hbm>> -> memref<131072x64xf32, #tpu.memory_space<hbm>>
    tpu.wait_indirect_dma semaphore(%arg7 : memref<!tpu.dma_semaphore, #tpu.memory_space<semaphore_mem>>) src(%dma_wait3A_40 : memref<131072x64xf32, #tpu.memory_space<hbm>>) dst(%dma_wait3A_35 : memref<128x64xf32, #tpu.memory_space<vmem>>)
    %dma_wait3A_41 = arith.constant 128 : i32
    %dma_wait3A_42 = arith.constant 0 : i32
    %dma_wait3A_43 = tpu.memref_slice %arg6[%dma_wait3A_41, %dma_wait3A_42] : memref<512x64xf32, #tpu.memory_space<vmem>> -> memref<128x64xf32, #tpu.memory_space<vmem>>
    %dma_wait3A_44 = arith.constant 128 : i32
    %dma_wait3A_45 = tpu.memref_slice %arg5[%dma_wait3A_44] : memref<512xi32, #tpu.memory_space<vmem>> -> memref<128xi32, #tpu.memory_space<vmem>>
    %dma_wait3A_46 = arith.constant 0 : i32
    %dma_wait3A_47 = arith.constant 0 : i32
    %dma_wait3A_48 = tpu.memref_slice %arg2[%dma_wait3A_46, %dma_wait3A_47] : memref<131072x64xf32, #tpu.memory_space<hbm>> -> memref<131072x64xf32, #tpu.memory_space<hbm>>
    tpu.wait_indirect_dma semaphore(%arg7 : memref<!tpu.dma_semaphore, #tpu.memory_space<semaphore_mem>>) src(%dma_wait3A_48 : memref<131072x64xf32, #tpu.memory_space<hbm>>) dst(%dma_wait3A_43 : memref<128x64xf32, #tpu.memory_space<vmem>>)
    %dma_wait3A_49 = arith.constant 256 : i32
    %dma_wait3A_50 = arith.constant 0 : i32
    %dma_wait3A_51 = tpu.memref_slice %arg6[%dma_wait3A_49, %dma_wait3A_50] : memref<512x64xf32, #tpu.memory_space<vmem>> -> memref<128x64xf32, #tpu.memory_space<vmem>>
    %dma_wait3A_52 = arith.constant 256 : i32
    %dma_wait3A_53 = tpu.memref_slice %arg5[%dma_wait3A_52] : memref<512xi32, #tpu.memory_space<vmem>> -> memref<128xi32, #tpu.memory_space<vmem>>
    %dma_wait3A_54 = arith.constant 0 : i32
    %dma_wait3A_55 = arith.constant 0 : i32
    %dma_wait3A_56 = tpu.memref_slice %arg2[%dma_wait3A_54, %dma_wait3A_55] : memref<131072x64xf32, #tpu.memory_space<hbm>> -> memref<131072x64xf32, #tpu.memory_space<hbm>>
    tpu.wait_indirect_dma semaphore(%arg7 : memref<!tpu.dma_semaphore, #tpu.memory_space<semaphore_mem>>) src(%dma_wait3A_56 : memref<131072x64xf32, #tpu.memory_space<hbm>>) dst(%dma_wait3A_51 : memref<128x64xf32, #tpu.memory_space<vmem>>)
    %dma_wait3A_57 = arith.constant 384 : i32
    %dma_wait3A_58 = arith.constant 0 : i32
    %dma_wait3A_59 = tpu.memref_slice %arg6[%dma_wait3A_57, %dma_wait3A_58] : memref<512x64xf32, #tpu.memory_space<vmem>> -> memref<128x64xf32, #tpu.memory_space<vmem>>
    %dma_wait3A_60 = arith.constant 384 : i32
    %dma_wait3A_61 = tpu.memref_slice %arg5[%dma_wait3A_60] : memref<512xi32, #tpu.memory_space<vmem>> -> memref<128xi32, #tpu.memory_space<vmem>>
    %dma_wait3A_62 = arith.constant 0 : i32
    %dma_wait3A_63 = arith.constant 0 : i32
    %dma_wait3A_64 = tpu.memref_slice %arg2[%dma_wait3A_62, %dma_wait3A_63] : memref<131072x64xf32, #tpu.memory_space<hbm>> -> memref<131072x64xf32, #tpu.memory_space<hbm>>
    tpu.wait_indirect_dma semaphore(%arg7 : memref<!tpu.dma_semaphore, #tpu.memory_space<semaphore_mem>>) src(%dma_wait3A_64 : memref<131072x64xf32, #tpu.memory_space<hbm>>) dst(%dma_wait3A_59 : memref<128x64xf32, #tpu.memory_space<vmem>>)
    "tpu.region"() ({
      %run_scoped3A = tpu.sem_alloc : memref<!tpu.dma_semaphore, #tpu.memory_space<semaphore_mem>>
      %dma_start3A_65 = arith.constant 0 : i32
      %dma_start3A_66 = tpu.memref_slice %arg4[%mul3A_2, %dma_start3A_65] : memref<16384x64xf32, #tpu.memory_space<hbm>> -> memref<512x64xf32, #tpu.memory_space<hbm>>
      %dma_start3A_67 = arith.constant 0 : i32
      %dma_start3A_68 = tpu.memref_slice %arg4[%mul3A_2, %dma_start3A_67] : memref<16384x64xf32, #tpu.memory_space<hbm>> -> memref<512x64xf32, #tpu.memory_space<hbm>>
      tpu.enqueue_dma source(%arg6 : memref<512x64xf32, #tpu.memory_space<vmem>>) target(%dma_start3A_68 : memref<512x64xf32, #tpu.memory_space<hbm>>) target_semaphore(%run_scoped3A : memref<!tpu.dma_semaphore, #tpu.memory_space<semaphore_mem>>)
      %dma_wait3A_69 = arith.constant 0 : i32
      %dma_wait3A_70 = tpu.memref_slice %arg4[%mul3A_2, %dma_wait3A_69] : memref<16384x64xf32, #tpu.memory_space<hbm>> -> memref<512x64xf32, #tpu.memory_space<hbm>>
      %dma_wait3A_71 = arith.constant 0 : i32
      %dma_wait3A_72 = tpu.memref_slice %arg4[%mul3A_2, %dma_wait3A_71] : memref<16384x64xf32, #tpu.memory_space<hbm>> -> memref<512x64xf32, #tpu.memory_space<hbm>>
      tpu.wait_dma2 semaphore(%run_scoped3A : memref<!tpu.dma_semaphore, #tpu.memory_space<semaphore_mem>>) src(%arg6 : memref<512x64xf32, #tpu.memory_space<vmem>>) dst(%dma_wait3A_72 : memref<512x64xf32, #tpu.memory_space<hbm>>)
      tpu.yield
    }) : () -> ()
    return
  }
}

module attributes {stable_mosaic.version = 14 : i64} {
  func.func @_tc_body(%arg0: i32, %arg1: memref<128x1024xf32, #tpu.memory_space<vmem>>, %arg2: memref<128x64xf32, #tpu.memory_space<vmem>>, %arg3: memref<1024x4096xbf16, #tpu.memory_space<vmem>>, %arg4: memref<1x4096xf32, #tpu.memory_space<vmem>>, %arg5: memref<32x128x128xf32, #tpu.memory_space<vmem>>, %arg6: memref<128x8xi32, #tpu.memory_space<vmem>>) attributes {dimension_semantics = [#tpu.dimension_semantics<arbitrary>], iteration_bounds = array<i64: 16>, scalar_prefetch = 0 : i64, scratch_operands = 0 : i64, tpu.core_type = #tpu.core_type<tc>, window_params = [{transform_indices = @transform_0, window_bounds = array<i64: 128, 1024>}, {transform_indices = @transform_1, window_bounds = array<i64: 128, 64>}, {pipeline_mode = #tpu.pipeline_mode<synchronous>, transform_indices = @transform_2, window_bounds = array<i64: 1024, 4096>}, {pipeline_mode = #tpu.pipeline_mode<synchronous>, transform_indices = @transform_3, window_bounds = array<i64: 1, 4096>}, {transform_indices = @transform_4, window_bounds = array<i64: 32, 128, 128>}, {transform_indices = @transform_5, window_bounds = array<i64: 128, 8>}]} {
    %get3A = arith.constant 0 : index
    %get3A_0 = arith.constant 0 : index
    %get3A_1 = vector.load %arg1[%get3A, %get3A_0] : memref<128x1024xf32, #tpu.memory_space<vmem>>, vector<128x1024xf32>
    %convert_element_type3A = arith.truncf %get3A_1 : vector<128x1024xf32> to vector<128x1024xbf16>
    %get3A_2 = arith.constant 0 : index
    %get3A_3 = arith.constant 0 : index
    %get3A_4 = vector.load %arg3[%get3A_2, %get3A_3] : memref<1024x4096xbf16, #tpu.memory_space<vmem>>, vector<1024x4096xbf16>
    %dot_general3A = arith.constant dense<0.000000e+00> : vector<128x4096xf32>
    %dot_general3A_5 = tpu.matmul %convert_element_type3A, %get3A_4, %dot_general3A {dimension_numbers = #tpu.dot_dimension_numbers<[1], [0], [0], [1], [0, 0, 1, 1], [], []>, transpose_lhs_hint = false} : vector<128x1024xbf16>, vector<1024x4096xbf16>, vector<128x4096xf32> -> vector<128x4096xf32>
    %get3A_6 = arith.constant 0 : index
    %get3A_7 = arith.constant 0 : index
    %get3A_8 = vector.load %arg4[%get3A_6, %get3A_7] : memref<1x4096xf32, #tpu.memory_space<vmem>>, vector<1x4096xf32>
    %add3A = vector.broadcast %get3A_8 : vector<1x4096xf32> to vector<128x4096xf32>
    %add3A_9 = arith.addf %dot_general3A_5, %add3A : vector<128x4096xf32>
    %slice3A = vector.extract_strided_slice %add3A_9 {offsets = [0, 0], sizes = [128, 128], strides = [1, 1]} : vector<128x4096xf32> to vector<128x128xf32>
    %swap3A = arith.constant 0 : index
    %swap3A_10 = arith.constant 0 : index
    %swap3A_11 = arith.constant 0 : index
    %swap3A_12 = vector.load %arg5[%swap3A, %swap3A_10, %swap3A_11] : memref<32x128x128xf32, #tpu.memory_space<vmem>>, vector<1x128x128xf32>
    %swap3A_13 = vector.shape_cast %swap3A_12 : vector<1x128x128xf32> to vector<128x128xf32>
    %swap3A_14 = vector.shape_cast %slice3A : vector<128x128xf32> to vector<1x128x128xf32>
    tpu.vector_store %arg5[%swap3A, %swap3A_10, %swap3A_11], %swap3A_14 {strides = array<i32>} : memref<32x128x128xf32, #tpu.memory_space<vmem>>, vector<1x128x128xf32>,
    %slice3A_15 = vector.extract_strided_slice %add3A_9 {offsets = [0, 128], sizes = [128, 128], strides = [1, 1]} : vector<128x4096xf32> to vector<128x128xf32>
    %swap3A_16 = arith.constant 1 : index
    %swap3A_17 = arith.constant 0 : index
    %swap3A_18 = arith.constant 0 : index
    %swap3A_19 = vector.load %arg5[%swap3A_16, %swap3A_17, %swap3A_18] : memref<32x128x128xf32, #tpu.memory_space<vmem>>, vector<1x128x128xf32>
    %swap3A_20 = vector.shape_cast %swap3A_19 : vector<1x128x128xf32> to vector<128x128xf32>
    %swap3A_21 = vector.shape_cast %slice3A_15 : vector<128x128xf32> to vector<1x128x128xf32>
    tpu.vector_store %arg5[%swap3A_16, %swap3A_17, %swap3A_18], %swap3A_21 {strides = array<i32>} : memref<32x128x128xf32, #tpu.memory_space<vmem>>, vector<1x128x128xf32>,
    %slice3A_22 = vector.extract_strided_slice %add3A_9 {offsets = [0, 256], sizes = [128, 128], strides = [1, 1]} : vector<128x4096xf32> to vector<128x128xf32>
    %swap3A_23 = arith.constant 2 : index
    %swap3A_24 = arith.constant 0 : index
    %swap3A_25 = arith.constant 0 : index
    %swap3A_26 = vector.load %arg5[%swap3A_23, %swap3A_24, %swap3A_25] : memref<32x128x128xf32, #tpu.memory_space<vmem>>, vector<1x128x128xf32>
    %swap3A_27 = vector.shape_cast %swap3A_26 : vector<1x128x128xf32> to vector<128x128xf32>
    %swap3A_28 = vector.shape_cast %slice3A_22 : vector<128x128xf32> to vector<1x128x128xf32>
    tpu.vector_store %arg5[%swap3A_23, %swap3A_24, %swap3A_25], %swap3A_28 {strides = array<i32>} : memref<32x128x128xf32, #tpu.memory_space<vmem>>, vector<1x128x128xf32>,
    %slice3A_29 = vector.extract_strided_slice %add3A_9 {offsets = [0, 384], sizes = [128, 128], strides = [1, 1]} : vector<128x4096xf32> to vector<128x128xf32>
    %swap3A_30 = arith.constant 3 : index
    %swap3A_31 = arith.constant 0 : index
    %swap3A_32 = arith.constant 0 : index
    %swap3A_33 = vector.load %arg5[%swap3A_30, %swap3A_31, %swap3A_32] : memref<32x128x128xf32, #tpu.memory_space<vmem>>, vector<1x128x128xf32>
    %swap3A_34 = vector.shape_cast %swap3A_33 : vector<1x128x128xf32> to vector<128x128xf32>
    %swap3A_35 = vector.shape_cast %slice3A_29 : vector<128x128xf32> to vector<1x128x128xf32>
    tpu.vector_store %arg5[%swap3A_30, %swap3A_31, %swap3A_32], %swap3A_35 {strides = array<i32>} : memref<32x128x128xf32, #tpu.memory_space<vmem>>, vector<1x128x128xf32>,
    %slice3A_36 = vector.extract_strided_slice %add3A_9 {offsets = [0, 512], sizes = [128, 128], strides = [1, 1]} : vector<128x4096xf32> to vector<128x128xf32>
    %swap3A_37 = arith.constant 4 : index
    %swap3A_38 = arith.constant 0 : index
    %swap3A_39 = arith.constant 0 : index
    %swap3A_40 = vector.load %arg5[%swap3A_37, %swap3A_38, %swap3A_39] : memref<32x128x128xf32, #tpu.memory_space<vmem>>, vector<1x128x128xf32>
    %swap3A_41 = vector.shape_cast %swap3A_40 : vector<1x128x128xf32> to vector<128x128xf32>
    %swap3A_42 = vector.shape_cast %slice3A_36 : vector<128x128xf32> to vector<1x128x128xf32>
    tpu.vector_store %arg5[%swap3A_37, %swap3A_38, %swap3A_39], %swap3A_42 {strides = array<i32>} : memref<32x128x128xf32, #tpu.memory_space<vmem>>, vector<1x128x128xf32>,
    %slice3A_43 = vector.extract_strided_slice %add3A_9 {offsets = [0, 640], sizes = [128, 128], strides = [1, 1]} : vector<128x4096xf32> to vector<128x128xf32>
    %swap3A_44 = arith.constant 5 : index
    %swap3A_45 = arith.constant 0 : index
    %swap3A_46 = arith.constant 0 : index
    %swap3A_47 = vector.load %arg5[%swap3A_44, %swap3A_45, %swap3A_46] : memref<32x128x128xf32, #tpu.memory_space<vmem>>, vector<1x128x128xf32>
    %swap3A_48 = vector.shape_cast %swap3A_47 : vector<1x128x128xf32> to vector<128x128xf32>
    %swap3A_49 = vector.shape_cast %slice3A_43 : vector<128x128xf32> to vector<1x128x128xf32>
    tpu.vector_store %arg5[%swap3A_44, %swap3A_45, %swap3A_46], %swap3A_49 {strides = array<i32>} : memref<32x128x128xf32, #tpu.memory_space<vmem>>, vector<1x128x128xf32>,
    %slice3A_50 = vector.extract_strided_slice %add3A_9 {offsets = [0, 768], sizes = [128, 128], strides = [1, 1]} : vector<128x4096xf32> to vector<128x128xf32>
    %swap3A_51 = arith.constant 6 : index
    %swap3A_52 = arith.constant 0 : index
    %swap3A_53 = arith.constant 0 : index
    %swap3A_54 = vector.load %arg5[%swap3A_51, %swap3A_52, %swap3A_53] : memref<32x128x128xf32, #tpu.memory_space<vmem>>, vector<1x128x128xf32>
    %swap3A_55 = vector.shape_cast %swap3A_54 : vector<1x128x128xf32> to vector<128x128xf32>
    %swap3A_56 = vector.shape_cast %slice3A_50 : vector<128x128xf32> to vector<1x128x128xf32>
    tpu.vector_store %arg5[%swap3A_51, %swap3A_52, %swap3A_53], %swap3A_56 {strides = array<i32>} : memref<32x128x128xf32, #tpu.memory_space<vmem>>, vector<1x128x128xf32>,
    %slice3A_57 = vector.extract_strided_slice %add3A_9 {offsets = [0, 896], sizes = [128, 128], strides = [1, 1]} : vector<128x4096xf32> to vector<128x128xf32>
    %swap3A_58 = arith.constant 7 : index
    %swap3A_59 = arith.constant 0 : index
    %swap3A_60 = arith.constant 0 : index
    %swap3A_61 = vector.load %arg5[%swap3A_58, %swap3A_59, %swap3A_60] : memref<32x128x128xf32, #tpu.memory_space<vmem>>, vector<1x128x128xf32>
    %swap3A_62 = vector.shape_cast %swap3A_61 : vector<1x128x128xf32> to vector<128x128xf32>
    %swap3A_63 = vector.shape_cast %slice3A_57 : vector<128x128xf32> to vector<1x128x128xf32>
    tpu.vector_store %arg5[%swap3A_58, %swap3A_59, %swap3A_60], %swap3A_63 {strides = array<i32>} : memref<32x128x128xf32, #tpu.memory_space<vmem>>, vector<1x128x128xf32>,
    %slice3A_64 = vector.extract_strided_slice %add3A_9 {offsets = [0, 1024], sizes = [128, 128], strides = [1, 1]} : vector<128x4096xf32> to vector<128x128xf32>
    %swap3A_65 = arith.constant 8 : index
    %swap3A_66 = arith.constant 0 : index
    %swap3A_67 = arith.constant 0 : index
    %swap3A_68 = vector.load %arg5[%swap3A_65, %swap3A_66, %swap3A_67] : memref<32x128x128xf32, #tpu.memory_space<vmem>>, vector<1x128x128xf32>
    %swap3A_69 = vector.shape_cast %swap3A_68 : vector<1x128x128xf32> to vector<128x128xf32>
    %swap3A_70 = vector.shape_cast %slice3A_64 : vector<128x128xf32> to vector<1x128x128xf32>
    tpu.vector_store %arg5[%swap3A_65, %swap3A_66, %swap3A_67], %swap3A_70 {strides = array<i32>} : memref<32x128x128xf32, #tpu.memory_space<vmem>>, vector<1x128x128xf32>,
    %slice3A_71 = vector.extract_strided_slice %add3A_9 {offsets = [0, 1152], sizes = [128, 128], strides = [1, 1]} : vector<128x4096xf32> to vector<128x128xf32>
    %swap3A_72 = arith.constant 9 : index
    %swap3A_73 = arith.constant 0 : index
    %swap3A_74 = arith.constant 0 : index
    %swap3A_75 = vector.load %arg5[%swap3A_72, %swap3A_73, %swap3A_74] : memref<32x128x128xf32, #tpu.memory_space<vmem>>, vector<1x128x128xf32>
    %swap3A_76 = vector.shape_cast %swap3A_75 : vector<1x128x128xf32> to vector<128x128xf32>
    %swap3A_77 = vector.shape_cast %slice3A_71 : vector<128x128xf32> to vector<1x128x128xf32>
    tpu.vector_store %arg5[%swap3A_72, %swap3A_73, %swap3A_74], %swap3A_77 {strides = array<i32>} : memref<32x128x128xf32, #tpu.memory_space<vmem>>, vector<1x128x128xf32>,
    %slice3A_78 = vector.extract_strided_slice %add3A_9 {offsets = [0, 1280], sizes = [128, 128], strides = [1, 1]} : vector<128x4096xf32> to vector<128x128xf32>
    %swap3A_79 = arith.constant 10 : index
    %swap3A_80 = arith.constant 0 : index
    %swap3A_81 = arith.constant 0 : index
    %swap3A_82 = vector.load %arg5[%swap3A_79, %swap3A_80, %swap3A_81] : memref<32x128x128xf32, #tpu.memory_space<vmem>>, vector<1x128x128xf32>
    %swap3A_83 = vector.shape_cast %swap3A_82 : vector<1x128x128xf32> to vector<128x128xf32>
    %swap3A_84 = vector.shape_cast %slice3A_78 : vector<128x128xf32> to vector<1x128x128xf32>
    tpu.vector_store %arg5[%swap3A_79, %swap3A_80, %swap3A_81], %swap3A_84 {strides = array<i32>} : memref<32x128x128xf32, #tpu.memory_space<vmem>>, vector<1x128x128xf32>,
    %slice3A_85 = vector.extract_strided_slice %add3A_9 {offsets = [0, 1408], sizes = [128, 128], strides = [1, 1]} : vector<128x4096xf32> to vector<128x128xf32>
    %swap3A_86 = arith.constant 11 : index
    %swap3A_87 = arith.constant 0 : index
    %swap3A_88 = arith.constant 0 : index
    %swap3A_89 = vector.load %arg5[%swap3A_86, %swap3A_87, %swap3A_88] : memref<32x128x128xf32, #tpu.memory_space<vmem>>, vector<1x128x128xf32>
    %swap3A_90 = vector.shape_cast %swap3A_89 : vector<1x128x128xf32> to vector<128x128xf32>
    %swap3A_91 = vector.shape_cast %slice3A_85 : vector<128x128xf32> to vector<1x128x128xf32>
    tpu.vector_store %arg5[%swap3A_86, %swap3A_87, %swap3A_88], %swap3A_91 {strides = array<i32>} : memref<32x128x128xf32, #tpu.memory_space<vmem>>, vector<1x128x128xf32>,
    %slice3A_92 = vector.extract_strided_slice %add3A_9 {offsets = [0, 1536], sizes = [128, 128], strides = [1, 1]} : vector<128x4096xf32> to vector<128x128xf32>
    %swap3A_93 = arith.constant 12 : index
    %swap3A_94 = arith.constant 0 : index
    %swap3A_95 = arith.constant 0 : index
    %swap3A_96 = vector.load %arg5[%swap3A_93, %swap3A_94, %swap3A_95] : memref<32x128x128xf32, #tpu.memory_space<vmem>>, vector<1x128x128xf32>
    %swap3A_97 = vector.shape_cast %swap3A_96 : vector<1x128x128xf32> to vector<128x128xf32>
    %swap3A_98 = vector.shape_cast %slice3A_92 : vector<128x128xf32> to vector<1x128x128xf32>
    tpu.vector_store %arg5[%swap3A_93, %swap3A_94, %swap3A_95], %swap3A_98 {strides = array<i32>} : memref<32x128x128xf32, #tpu.memory_space<vmem>>, vector<1x128x128xf32>,
    %slice3A_99 = vector.extract_strided_slice %add3A_9 {offsets = [0, 1664], sizes = [128, 128], strides = [1, 1]} : vector<128x4096xf32> to vector<128x128xf32>
    %swap3A_100 = arith.constant 13 : index
    %swap3A_101 = arith.constant 0 : index
    %swap3A_102 = arith.constant 0 : index
    %swap3A_103 = vector.load %arg5[%swap3A_100, %swap3A_101, %swap3A_102] : memref<32x128x128xf32, #tpu.memory_space<vmem>>, vector<1x128x128xf32>
    %swap3A_104 = vector.shape_cast %swap3A_103 : vector<1x128x128xf32> to vector<128x128xf32>
    %swap3A_105 = vector.shape_cast %slice3A_99 : vector<128x128xf32> to vector<1x128x128xf32>
    tpu.vector_store %arg5[%swap3A_100, %swap3A_101, %swap3A_102], %swap3A_105 {strides = array<i32>} : memref<32x128x128xf32, #tpu.memory_space<vmem>>, vector<1x128x128xf32>,
    %slice3A_106 = vector.extract_strided_slice %add3A_9 {offsets = [0, 1792], sizes = [128, 128], strides = [1, 1]} : vector<128x4096xf32> to vector<128x128xf32>
    %swap3A_107 = arith.constant 14 : index
    %swap3A_108 = arith.constant 0 : index
    %swap3A_109 = arith.constant 0 : index
    %swap3A_110 = vector.load %arg5[%swap3A_107, %swap3A_108, %swap3A_109] : memref<32x128x128xf32, #tpu.memory_space<vmem>>, vector<1x128x128xf32>
    %swap3A_111 = vector.shape_cast %swap3A_110 : vector<1x128x128xf32> to vector<128x128xf32>
    %swap3A_112 = vector.shape_cast %slice3A_106 : vector<128x128xf32> to vector<1x128x128xf32>
    tpu.vector_store %arg5[%swap3A_107, %swap3A_108, %swap3A_109], %swap3A_112 {strides = array<i32>} : memref<32x128x128xf32, #tpu.memory_space<vmem>>, vector<1x128x128xf32>,
    %slice3A_113 = vector.extract_strided_slice %add3A_9 {offsets = [0, 1920], sizes = [128, 128], strides = [1, 1]} : vector<128x4096xf32> to vector<128x128xf32>
    %swap3A_114 = arith.constant 15 : index
    %swap3A_115 = arith.constant 0 : index
    %swap3A_116 = arith.constant 0 : index
    %swap3A_117 = vector.load %arg5[%swap3A_114, %swap3A_115, %swap3A_116] : memref<32x128x128xf32, #tpu.memory_space<vmem>>, vector<1x128x128xf32>
    %swap3A_118 = vector.shape_cast %swap3A_117 : vector<1x128x128xf32> to vector<128x128xf32>
    %swap3A_119 = vector.shape_cast %slice3A_113 : vector<128x128xf32> to vector<1x128x128xf32>
    tpu.vector_store %arg5[%swap3A_114, %swap3A_115, %swap3A_116], %swap3A_119 {strides = array<i32>} : memref<32x128x128xf32, #tpu.memory_space<vmem>>, vector<1x128x128xf32>,
    %slice3A_120 = vector.extract_strided_slice %add3A_9 {offsets = [0, 2048], sizes = [128, 128], strides = [1, 1]} : vector<128x4096xf32> to vector<128x128xf32>
    %swap3A_121 = arith.constant 16 : index
    %swap3A_122 = arith.constant 0 : index
    %swap3A_123 = arith.constant 0 : index
    %swap3A_124 = vector.load %arg5[%swap3A_121, %swap3A_122, %swap3A_123] : memref<32x128x128xf32, #tpu.memory_space<vmem>>, vector<1x128x128xf32>
    %swap3A_125 = vector.shape_cast %swap3A_124 : vector<1x128x128xf32> to vector<128x128xf32>
    %swap3A_126 = vector.shape_cast %slice3A_120 : vector<128x128xf32> to vector<1x128x128xf32>
    tpu.vector_store %arg5[%swap3A_121, %swap3A_122, %swap3A_123], %swap3A_126 {strides = array<i32>} : memref<32x128x128xf32, #tpu.memory_space<vmem>>, vector<1x128x128xf32>,
    %slice3A_127 = vector.extract_strided_slice %add3A_9 {offsets = [0, 2176], sizes = [128, 128], strides = [1, 1]} : vector<128x4096xf32> to vector<128x128xf32>
    %swap3A_128 = arith.constant 17 : index
    %swap3A_129 = arith.constant 0 : index
    %swap3A_130 = arith.constant 0 : index
    %swap3A_131 = vector.load %arg5[%swap3A_128, %swap3A_129, %swap3A_130] : memref<32x128x128xf32, #tpu.memory_space<vmem>>, vector<1x128x128xf32>
    %swap3A_132 = vector.shape_cast %swap3A_131 : vector<1x128x128xf32> to vector<128x128xf32>
    %swap3A_133 = vector.shape_cast %slice3A_127 : vector<128x128xf32> to vector<1x128x128xf32>
    tpu.vector_store %arg5[%swap3A_128, %swap3A_129, %swap3A_130], %swap3A_133 {strides = array<i32>} : memref<32x128x128xf32, #tpu.memory_space<vmem>>, vector<1x128x128xf32>,
    %slice3A_134 = vector.extract_strided_slice %add3A_9 {offsets = [0, 2304], sizes = [128, 128], strides = [1, 1]} : vector<128x4096xf32> to vector<128x128xf32>
    %swap3A_135 = arith.constant 18 : index
    %swap3A_136 = arith.constant 0 : index
    %swap3A_137 = arith.constant 0 : index
    %swap3A_138 = vector.load %arg5[%swap3A_135, %swap3A_136, %swap3A_137] : memref<32x128x128xf32, #tpu.memory_space<vmem>>, vector<1x128x128xf32>
    %swap3A_139 = vector.shape_cast %swap3A_138 : vector<1x128x128xf32> to vector<128x128xf32>
    %swap3A_140 = vector.shape_cast %slice3A_134 : vector<128x128xf32> to vector<1x128x128xf32>
    tpu.vector_store %arg5[%swap3A_135, %swap3A_136, %swap3A_137], %swap3A_140 {strides = array<i32>} : memref<32x128x128xf32, #tpu.memory_space<vmem>>, vector<1x128x128xf32>,
    %slice3A_141 = vector.extract_strided_slice %add3A_9 {offsets = [0, 2432], sizes = [128, 128], strides = [1, 1]} : vector<128x4096xf32> to vector<128x128xf32>
    %swap3A_142 = arith.constant 19 : index
    %swap3A_143 = arith.constant 0 : index
    %swap3A_144 = arith.constant 0 : index
    %swap3A_145 = vector.load %arg5[%swap3A_142, %swap3A_143, %swap3A_144] : memref<32x128x128xf32, #tpu.memory_space<vmem>>, vector<1x128x128xf32>
    %swap3A_146 = vector.shape_cast %swap3A_145 : vector<1x128x128xf32> to vector<128x128xf32>
    %swap3A_147 = vector.shape_cast %slice3A_141 : vector<128x128xf32> to vector<1x128x128xf32>
    tpu.vector_store %arg5[%swap3A_142, %swap3A_143, %swap3A_144], %swap3A_147 {strides = array<i32>} : memref<32x128x128xf32, #tpu.memory_space<vmem>>, vector<1x128x128xf32>,
    %slice3A_148 = vector.extract_strided_slice %add3A_9 {offsets = [0, 2560], sizes = [128, 128], strides = [1, 1]} : vector<128x4096xf32> to vector<128x128xf32>
    %swap3A_149 = arith.constant 20 : index
    %swap3A_150 = arith.constant 0 : index
    %swap3A_151 = arith.constant 0 : index
    %swap3A_152 = vector.load %arg5[%swap3A_149, %swap3A_150, %swap3A_151] : memref<32x128x128xf32, #tpu.memory_space<vmem>>, vector<1x128x128xf32>
    %swap3A_153 = vector.shape_cast %swap3A_152 : vector<1x128x128xf32> to vector<128x128xf32>
    %swap3A_154 = vector.shape_cast %slice3A_148 : vector<128x128xf32> to vector<1x128x128xf32>
    tpu.vector_store %arg5[%swap3A_149, %swap3A_150, %swap3A_151], %swap3A_154 {strides = array<i32>} : memref<32x128x128xf32, #tpu.memory_space<vmem>>, vector<1x128x128xf32>,
    %slice3A_155 = vector.extract_strided_slice %add3A_9 {offsets = [0, 2688], sizes = [128, 128], strides = [1, 1]} : vector<128x4096xf32> to vector<128x128xf32>
    %swap3A_156 = arith.constant 21 : index
    %swap3A_157 = arith.constant 0 : index
    %swap3A_158 = arith.constant 0 : index
    %swap3A_159 = vector.load %arg5[%swap3A_156, %swap3A_157, %swap3A_158] : memref<32x128x128xf32, #tpu.memory_space<vmem>>, vector<1x128x128xf32>
    %swap3A_160 = vector.shape_cast %swap3A_159 : vector<1x128x128xf32> to vector<128x128xf32>
    %swap3A_161 = vector.shape_cast %slice3A_155 : vector<128x128xf32> to vector<1x128x128xf32>
    tpu.vector_store %arg5[%swap3A_156, %swap3A_157, %swap3A_158], %swap3A_161 {strides = array<i32>} : memref<32x128x128xf32, #tpu.memory_space<vmem>>, vector<1x128x128xf32>,
    %slice3A_162 = vector.extract_strided_slice %add3A_9 {offsets = [0, 2816], sizes = [128, 128], strides = [1, 1]} : vector<128x4096xf32> to vector<128x128xf32>
    %swap3A_163 = arith.constant 22 : index
    %swap3A_164 = arith.constant 0 : index
    %swap3A_165 = arith.constant 0 : index
    %swap3A_166 = vector.load %arg5[%swap3A_163, %swap3A_164, %swap3A_165] : memref<32x128x128xf32, #tpu.memory_space<vmem>>, vector<1x128x128xf32>
    %swap3A_167 = vector.shape_cast %swap3A_166 : vector<1x128x128xf32> to vector<128x128xf32>
    %swap3A_168 = vector.shape_cast %slice3A_162 : vector<128x128xf32> to vector<1x128x128xf32>
    tpu.vector_store %arg5[%swap3A_163, %swap3A_164, %swap3A_165], %swap3A_168 {strides = array<i32>} : memref<32x128x128xf32, #tpu.memory_space<vmem>>, vector<1x128x128xf32>,
    %slice3A_169 = vector.extract_strided_slice %add3A_9 {offsets = [0, 2944], sizes = [128, 128], strides = [1, 1]} : vector<128x4096xf32> to vector<128x128xf32>
    %swap3A_170 = arith.constant 23 : index
    %swap3A_171 = arith.constant 0 : index
    %swap3A_172 = arith.constant 0 : index
    %swap3A_173 = vector.load %arg5[%swap3A_170, %swap3A_171, %swap3A_172] : memref<32x128x128xf32, #tpu.memory_space<vmem>>, vector<1x128x128xf32>
    %swap3A_174 = vector.shape_cast %swap3A_173 : vector<1x128x128xf32> to vector<128x128xf32>
    %swap3A_175 = vector.shape_cast %slice3A_169 : vector<128x128xf32> to vector<1x128x128xf32>
    tpu.vector_store %arg5[%swap3A_170, %swap3A_171, %swap3A_172], %swap3A_175 {strides = array<i32>} : memref<32x128x128xf32, #tpu.memory_space<vmem>>, vector<1x128x128xf32>,
    %slice3A_176 = vector.extract_strided_slice %add3A_9 {offsets = [0, 3072], sizes = [128, 128], strides = [1, 1]} : vector<128x4096xf32> to vector<128x128xf32>
    %swap3A_177 = arith.constant 24 : index
    %swap3A_178 = arith.constant 0 : index
    %swap3A_179 = arith.constant 0 : index
    %swap3A_180 = vector.load %arg5[%swap3A_177, %swap3A_178, %swap3A_179] : memref<32x128x128xf32, #tpu.memory_space<vmem>>, vector<1x128x128xf32>
    %swap3A_181 = vector.shape_cast %swap3A_180 : vector<1x128x128xf32> to vector<128x128xf32>
    %swap3A_182 = vector.shape_cast %slice3A_176 : vector<128x128xf32> to vector<1x128x128xf32>
    tpu.vector_store %arg5[%swap3A_177, %swap3A_178, %swap3A_179], %swap3A_182 {strides = array<i32>} : memref<32x128x128xf32, #tpu.memory_space<vmem>>, vector<1x128x128xf32>,
    %slice3A_183 = vector.extract_strided_slice %add3A_9 {offsets = [0, 3200], sizes = [128, 128], strides = [1, 1]} : vector<128x4096xf32> to vector<128x128xf32>
    %swap3A_184 = arith.constant 25 : index
    %swap3A_185 = arith.constant 0 : index
    %swap3A_186 = arith.constant 0 : index
    %swap3A_187 = vector.load %arg5[%swap3A_184, %swap3A_185, %swap3A_186] : memref<32x128x128xf32, #tpu.memory_space<vmem>>, vector<1x128x128xf32>
    %swap3A_188 = vector.shape_cast %swap3A_187 : vector<1x128x128xf32> to vector<128x128xf32>
    %swap3A_189 = vector.shape_cast %slice3A_183 : vector<128x128xf32> to vector<1x128x128xf32>
    tpu.vector_store %arg5[%swap3A_184, %swap3A_185, %swap3A_186], %swap3A_189 {strides = array<i32>} : memref<32x128x128xf32, #tpu.memory_space<vmem>>, vector<1x128x128xf32>,
    %slice3A_190 = vector.extract_strided_slice %add3A_9 {offsets = [0, 3328], sizes = [128, 128], strides = [1, 1]} : vector<128x4096xf32> to vector<128x128xf32>
    %swap3A_191 = arith.constant 26 : index
    %swap3A_192 = arith.constant 0 : index
    %swap3A_193 = arith.constant 0 : index
    %swap3A_194 = vector.load %arg5[%swap3A_191, %swap3A_192, %swap3A_193] : memref<32x128x128xf32, #tpu.memory_space<vmem>>, vector<1x128x128xf32>
    %swap3A_195 = vector.shape_cast %swap3A_194 : vector<1x128x128xf32> to vector<128x128xf32>
    %swap3A_196 = vector.shape_cast %slice3A_190 : vector<128x128xf32> to vector<1x128x128xf32>
    tpu.vector_store %arg5[%swap3A_191, %swap3A_192, %swap3A_193], %swap3A_196 {strides = array<i32>} : memref<32x128x128xf32, #tpu.memory_space<vmem>>, vector<1x128x128xf32>,
    %slice3A_197 = vector.extract_strided_slice %add3A_9 {offsets = [0, 3456], sizes = [128, 128], strides = [1, 1]} : vector<128x4096xf32> to vector<128x128xf32>
    %swap3A_198 = arith.constant 27 : index
    %swap3A_199 = arith.constant 0 : index
    %swap3A_200 = arith.constant 0 : index
    %swap3A_201 = vector.load %arg5[%swap3A_198, %swap3A_199, %swap3A_200] : memref<32x128x128xf32, #tpu.memory_space<vmem>>, vector<1x128x128xf32>
    %swap3A_202 = vector.shape_cast %swap3A_201 : vector<1x128x128xf32> to vector<128x128xf32>
    %swap3A_203 = vector.shape_cast %slice3A_197 : vector<128x128xf32> to vector<1x128x128xf32>
    tpu.vector_store %arg5[%swap3A_198, %swap3A_199, %swap3A_200], %swap3A_203 {strides = array<i32>} : memref<32x128x128xf32, #tpu.memory_space<vmem>>, vector<1x128x128xf32>,
    %slice3A_204 = vector.extract_strided_slice %add3A_9 {offsets = [0, 3584], sizes = [128, 128], strides = [1, 1]} : vector<128x4096xf32> to vector<128x128xf32>
    %swap3A_205 = arith.constant 28 : index
    %swap3A_206 = arith.constant 0 : index
    %swap3A_207 = arith.constant 0 : index
    %swap3A_208 = vector.load %arg5[%swap3A_205, %swap3A_206, %swap3A_207] : memref<32x128x128xf32, #tpu.memory_space<vmem>>, vector<1x128x128xf32>
    %swap3A_209 = vector.shape_cast %swap3A_208 : vector<1x128x128xf32> to vector<128x128xf32>
    %swap3A_210 = vector.shape_cast %slice3A_204 : vector<128x128xf32> to vector<1x128x128xf32>
    tpu.vector_store %arg5[%swap3A_205, %swap3A_206, %swap3A_207], %swap3A_210 {strides = array<i32>} : memref<32x128x128xf32, #tpu.memory_space<vmem>>, vector<1x128x128xf32>,
    %slice3A_211 = vector.extract_strided_slice %add3A_9 {offsets = [0, 3712], sizes = [128, 128], strides = [1, 1]} : vector<128x4096xf32> to vector<128x128xf32>
    %swap3A_212 = arith.constant 29 : index
    %swap3A_213 = arith.constant 0 : index
    %swap3A_214 = arith.constant 0 : index
    %swap3A_215 = vector.load %arg5[%swap3A_212, %swap3A_213, %swap3A_214] : memref<32x128x128xf32, #tpu.memory_space<vmem>>, vector<1x128x128xf32>
    %swap3A_216 = vector.shape_cast %swap3A_215 : vector<1x128x128xf32> to vector<128x128xf32>
    %swap3A_217 = vector.shape_cast %slice3A_211 : vector<128x128xf32> to vector<1x128x128xf32>
    tpu.vector_store %arg5[%swap3A_212, %swap3A_213, %swap3A_214], %swap3A_217 {strides = array<i32>} : memref<32x128x128xf32, #tpu.memory_space<vmem>>, vector<1x128x128xf32>,
    %slice3A_218 = vector.extract_strided_slice %add3A_9 {offsets = [0, 3840], sizes = [128, 128], strides = [1, 1]} : vector<128x4096xf32> to vector<128x128xf32>
    %swap3A_219 = arith.constant 30 : index
    %swap3A_220 = arith.constant 0 : index
    %swap3A_221 = arith.constant 0 : index
    %swap3A_222 = vector.load %arg5[%swap3A_219, %swap3A_220, %swap3A_221] : memref<32x128x128xf32, #tpu.memory_space<vmem>>, vector<1x128x128xf32>
    %swap3A_223 = vector.shape_cast %swap3A_222 : vector<1x128x128xf32> to vector<128x128xf32>
    %swap3A_224 = vector.shape_cast %slice3A_218 : vector<128x128xf32> to vector<1x128x128xf32>
    tpu.vector_store %arg5[%swap3A_219, %swap3A_220, %swap3A_221], %swap3A_224 {strides = array<i32>} : memref<32x128x128xf32, #tpu.memory_space<vmem>>, vector<1x128x128xf32>,
    %slice3A_225 = vector.extract_strided_slice %add3A_9 {offsets = [0, 3968], sizes = [128, 128], strides = [1, 1]} : vector<128x4096xf32> to vector<128x128xf32>
    %swap3A_226 = arith.constant 31 : index
    %swap3A_227 = arith.constant 0 : index
    %swap3A_228 = arith.constant 0 : index
    %swap3A_229 = vector.load %arg5[%swap3A_226, %swap3A_227, %swap3A_228] : memref<32x128x128xf32, #tpu.memory_space<vmem>>, vector<1x128x128xf32>
    %swap3A_230 = vector.shape_cast %swap3A_229 : vector<1x128x128xf32> to vector<128x128xf32>
    %swap3A_231 = vector.shape_cast %slice3A_225 : vector<128x128xf32> to vector<1x128x128xf32>
    tpu.vector_store %arg5[%swap3A_226, %swap3A_227, %swap3A_228], %swap3A_231 {strides = array<i32>} : memref<32x128x128xf32, #tpu.memory_space<vmem>>, vector<1x128x128xf32>,
    %get3A_232 = arith.constant 0 : index
    %get3A_233 = arith.constant 0 : index
    %get3A_234 = vector.load %arg2[%get3A_232, %get3A_233] : memref<128x64xf32, #tpu.memory_space<vmem>>, vector<128x64xf32>
    %iota3A = tpu.iota {dimensions = array<i32: 1>} : vector<128x64xi32>
    %reduce_min3A = arith.constant dense<0x7F800000> : vector<128xf32>
    %reduce_min3A_235 = vector.multi_reduction <minimumf>, %get3A_234, %reduce_min3A [1] : vector<128x64xf32> to vector<128xf32>
    %broadcast_in_dim3A = vector.shape_cast %reduce_min3A_235 : vector<128xf32> to vector<128x1xf32>
    %eq3A = vector.broadcast %broadcast_in_dim3A : vector<128x1xf32> to vector<128x64xf32>
    %eq3A_236 = arith.cmpf oeq, %get3A_234, %eq3A : vector<128x64xf32>
    %jit3A = arith.constant 64 : i32
    %broadcast_in_dim3A_237 = vector.broadcast %jit3A : i32 to vector<128x64xi32>
    %select_n3A = arith.select %eq3A_236, %iota3A, %broadcast_in_dim3A_237 : vector<128x64xi1>, vector<128x64xi32>
    %reduce_min3A_238 = arith.constant dense<2147483647> : vector<128xi32>
    %reduce_min3A_239 = vector.multi_reduction <minsi>, %select_n3A, %reduce_min3A_238 [1] : vector<128x64xi32> to vector<128xi32>
    %broadcast_in_dim3A_240 = vector.shape_cast %reduce_min3A_239 : vector<128xi32> to vector<128x1xi32>
    %eq3A_241 = vector.broadcast %broadcast_in_dim3A_240 : vector<128x1xi32> to vector<128x64xi32>
    %eq3A_242 = arith.cmpi eq, %iota3A, %eq3A_241 : vector<128x64xi32>
    %jit3A_243 = arith.constant 0x7F800000 : f32
    %broadcast_in_dim3A_244 = vector.broadcast %jit3A_243 : f32 to vector<128x64xf32>
    %select_n3A_245 = arith.select %eq3A_242, %broadcast_in_dim3A_244, %get3A_234 : vector<128x64xi1>, vector<128x64xf32>
    %reduce_min3A_246 = arith.constant dense<0x7F800000> : vector<128xf32>
    %reduce_min3A_247 = vector.multi_reduction <minimumf>, %select_n3A_245, %reduce_min3A_246 [1] : vector<128x64xf32> to vector<128xf32>
    %broadcast_in_dim3A_248 = vector.shape_cast %reduce_min3A_247 : vector<128xf32> to vector<128x1xf32>
    %eq3A_249 = vector.broadcast %broadcast_in_dim3A_248 : vector<128x1xf32> to vector<128x64xf32>
    %eq3A_250 = arith.cmpf oeq, %select_n3A_245, %eq3A_249 : vector<128x64xf32>
    %jit3A_251 = arith.constant 64 : i32
    %broadcast_in_dim3A_252 = vector.broadcast %jit3A_251 : i32 to vector<128x64xi32>
    %select_n3A_253 = arith.select %eq3A_250, %iota3A, %broadcast_in_dim3A_252 : vector<128x64xi1>, vector<128x64xi32>
    %reduce_min3A_254 = arith.constant dense<2147483647> : vector<128xi32>
    %reduce_min3A_255 = vector.multi_reduction <minsi>, %select_n3A_253, %reduce_min3A_254 [1] : vector<128x64xi32> to vector<128xi32>
    %broadcast_in_dim3A_256 = vector.shape_cast %reduce_min3A_255 : vector<128xi32> to vector<128x1xi32>
    %eq3A_257 = vector.broadcast %broadcast_in_dim3A_256 : vector<128x1xi32> to vector<128x64xi32>
    %eq3A_258 = arith.cmpi eq, %iota3A, %eq3A_257 : vector<128x64xi32>
    %jit3A_259 = arith.constant 0x7F800000 : f32
    %broadcast_in_dim3A_260 = vector.broadcast %jit3A_259 : f32 to vector<128x64xf32>
    %select_n3A_261 = arith.select %eq3A_258, %broadcast_in_dim3A_260, %select_n3A_245 : vector<128x64xi1>, vector<128x64xf32>
    %reduce_min3A_262 = arith.constant dense<0x7F800000> : vector<128xf32>
    %reduce_min3A_263 = vector.multi_reduction <minimumf>, %select_n3A_261, %reduce_min3A_262 [1] : vector<128x64xf32> to vector<128xf32>
    %broadcast_in_dim3A_264 = vector.shape_cast %reduce_min3A_263 : vector<128xf32> to vector<128x1xf32>
    %eq3A_265 = vector.broadcast %broadcast_in_dim3A_264 : vector<128x1xf32> to vector<128x64xf32>
    %eq3A_266 = arith.cmpf oeq, %select_n3A_261, %eq3A_265 : vector<128x64xf32>
    %jit3A_267 = arith.constant 64 : i32
    %broadcast_in_dim3A_268 = vector.broadcast %jit3A_267 : i32 to vector<128x64xi32>
    %select_n3A_269 = arith.select %eq3A_266, %iota3A, %broadcast_in_dim3A_268 : vector<128x64xi1>, vector<128x64xi32>
    %reduce_min3A_270 = arith.constant dense<2147483647> : vector<128xi32>
    %reduce_min3A_271 = vector.multi_reduction <minsi>, %select_n3A_269, %reduce_min3A_270 [1] : vector<128x64xi32> to vector<128xi32>
    %broadcast_in_dim3A_272 = vector.shape_cast %reduce_min3A_271 : vector<128xi32> to vector<128x1xi32>
    %eq3A_273 = vector.broadcast %broadcast_in_dim3A_272 : vector<128x1xi32> to vector<128x64xi32>
    %eq3A_274 = arith.cmpi eq, %iota3A, %eq3A_273 : vector<128x64xi32>
    %jit3A_275 = arith.constant 0x7F800000 : f32
    %broadcast_in_dim3A_276 = vector.broadcast %jit3A_275 : f32 to vector<128x64xf32>
    %select_n3A_277 = arith.select %eq3A_274, %broadcast_in_dim3A_276, %select_n3A_261 : vector<128x64xi1>, vector<128x64xf32>
    %reduce_min3A_278 = arith.constant dense<0x7F800000> : vector<128xf32>
    %reduce_min3A_279 = vector.multi_reduction <minimumf>, %select_n3A_277, %reduce_min3A_278 [1] : vector<128x64xf32> to vector<128xf32>
    %broadcast_in_dim3A_280 = vector.shape_cast %reduce_min3A_279 : vector<128xf32> to vector<128x1xf32>
    %eq3A_281 = vector.broadcast %broadcast_in_dim3A_280 : vector<128x1xf32> to vector<128x64xf32>
    %eq3A_282 = arith.cmpf oeq, %select_n3A_277, %eq3A_281 : vector<128x64xf32>
    %jit3A_283 = arith.constant 64 : i32
    %broadcast_in_dim3A_284 = vector.broadcast %jit3A_283 : i32 to vector<128x64xi32>
    %select_n3A_285 = arith.select %eq3A_282, %iota3A, %broadcast_in_dim3A_284 : vector<128x64xi1>, vector<128x64xi32>
    %reduce_min3A_286 = arith.constant dense<2147483647> : vector<128xi32>
    %reduce_min3A_287 = vector.multi_reduction <minsi>, %select_n3A_285, %reduce_min3A_286 [1] : vector<128x64xi32> to vector<128xi32>
    %broadcast_in_dim3A_288 = vector.shape_cast %reduce_min3A_287 : vector<128xi32> to vector<128x1xi32>
    %eq3A_289 = vector.broadcast %broadcast_in_dim3A_288 : vector<128x1xi32> to vector<128x64xi32>
    %eq3A_290 = arith.cmpi eq, %iota3A, %eq3A_289 : vector<128x64xi32>
    %jit3A_291 = arith.constant 0x7F800000 : f32
    %broadcast_in_dim3A_292 = vector.broadcast %jit3A_291 : f32 to vector<128x64xf32>
    %select_n3A_293 = arith.select %eq3A_290, %broadcast_in_dim3A_292, %select_n3A_277 : vector<128x64xi1>, vector<128x64xf32>
    %reduce_min3A_294 = arith.constant dense<0x7F800000> : vector<128xf32>
    %reduce_min3A_295 = vector.multi_reduction <minimumf>, %select_n3A_293, %reduce_min3A_294 [1] : vector<128x64xf32> to vector<128xf32>
    %broadcast_in_dim3A_296 = vector.shape_cast %reduce_min3A_295 : vector<128xf32> to vector<128x1xf32>
    %eq3A_297 = vector.broadcast %broadcast_in_dim3A_296 : vector<128x1xf32> to vector<128x64xf32>
    %eq3A_298 = arith.cmpf oeq, %select_n3A_293, %eq3A_297 : vector<128x64xf32>
    %jit3A_299 = arith.constant 64 : i32
    %broadcast_in_dim3A_300 = vector.broadcast %jit3A_299 : i32 to vector<128x64xi32>
    %select_n3A_301 = arith.select %eq3A_298, %iota3A, %broadcast_in_dim3A_300 : vector<128x64xi1>, vector<128x64xi32>
    %reduce_min3A_302 = arith.constant dense<2147483647> : vector<128xi32>
    %reduce_min3A_303 = vector.multi_reduction <minsi>, %select_n3A_301, %reduce_min3A_302 [1] : vector<128x64xi32> to vector<128xi32>
    %broadcast_in_dim3A_304 = vector.shape_cast %reduce_min3A_303 : vector<128xi32> to vector<128x1xi32>
    %eq3A_305 = vector.broadcast %broadcast_in_dim3A_304 : vector<128x1xi32> to vector<128x64xi32>
    %eq3A_306 = arith.cmpi eq, %iota3A, %eq3A_305 : vector<128x64xi32>
    %jit3A_307 = arith.constant 0x7F800000 : f32
    %broadcast_in_dim3A_308 = vector.broadcast %jit3A_307 : f32 to vector<128x64xf32>
    %select_n3A_309 = arith.select %eq3A_306, %broadcast_in_dim3A_308, %select_n3A_293 : vector<128x64xi1>, vector<128x64xf32>
    %reduce_min3A_310 = arith.constant dense<0x7F800000> : vector<128xf32>
    %reduce_min3A_311 = vector.multi_reduction <minimumf>, %select_n3A_309, %reduce_min3A_310 [1] : vector<128x64xf32> to vector<128xf32>
    %broadcast_in_dim3A_312 = vector.shape_cast %reduce_min3A_311 : vector<128xf32> to vector<128x1xf32>
    %eq3A_313 = vector.broadcast %broadcast_in_dim3A_312 : vector<128x1xf32> to vector<128x64xf32>
    %eq3A_314 = arith.cmpf oeq, %select_n3A_309, %eq3A_313 : vector<128x64xf32>
    %jit3A_315 = arith.constant 64 : i32
    %broadcast_in_dim3A_316 = vector.broadcast %jit3A_315 : i32 to vector<128x64xi32>
    %select_n3A_317 = arith.select %eq3A_314, %iota3A, %broadcast_in_dim3A_316 : vector<128x64xi1>, vector<128x64xi32>
    %reduce_min3A_318 = arith.constant dense<2147483647> : vector<128xi32>
    %reduce_min3A_319 = vector.multi_reduction <minsi>, %select_n3A_317, %reduce_min3A_318 [1] : vector<128x64xi32> to vector<128xi32>
    %broadcast_in_dim3A_320 = vector.shape_cast %reduce_min3A_319 : vector<128xi32> to vector<128x1xi32>
    %eq3A_321 = vector.broadcast %broadcast_in_dim3A_320 : vector<128x1xi32> to vector<128x64xi32>
    %eq3A_322 = arith.cmpi eq, %iota3A, %eq3A_321 : vector<128x64xi32>
    %jit3A_323 = arith.constant 0x7F800000 : f32
    %broadcast_in_dim3A_324 = vector.broadcast %jit3A_323 : f32 to vector<128x64xf32>
    %select_n3A_325 = arith.select %eq3A_322, %broadcast_in_dim3A_324, %select_n3A_309 : vector<128x64xi1>, vector<128x64xf32>
    %reduce_min3A_326 = arith.constant dense<0x7F800000> : vector<128xf32>
    %reduce_min3A_327 = vector.multi_reduction <minimumf>, %select_n3A_325, %reduce_min3A_326 [1] : vector<128x64xf32> to vector<128xf32>
    %broadcast_in_dim3A_328 = vector.shape_cast %reduce_min3A_327 : vector<128xf32> to vector<128x1xf32>
    %eq3A_329 = vector.broadcast %broadcast_in_dim3A_328 : vector<128x1xf32> to vector<128x64xf32>
    %eq3A_330 = arith.cmpf oeq, %select_n3A_325, %eq3A_329 : vector<128x64xf32>
    %jit3A_331 = arith.constant 64 : i32
    %broadcast_in_dim3A_332 = vector.broadcast %jit3A_331 : i32 to vector<128x64xi32>
    %select_n3A_333 = arith.select %eq3A_330, %iota3A, %broadcast_in_dim3A_332 : vector<128x64xi1>, vector<128x64xi32>
    %reduce_min3A_334 = arith.constant dense<2147483647> : vector<128xi32>
    %reduce_min3A_335 = vector.multi_reduction <minsi>, %select_n3A_333, %reduce_min3A_334 [1] : vector<128x64xi32> to vector<128xi32>
    %broadcast_in_dim3A_336 = vector.shape_cast %reduce_min3A_335 : vector<128xi32> to vector<128x1xi32>
    %eq3A_337 = vector.broadcast %broadcast_in_dim3A_336 : vector<128x1xi32> to vector<128x64xi32>
    %eq3A_338 = arith.cmpi eq, %iota3A, %eq3A_337 : vector<128x64xi32>
    %jit3A_339 = arith.constant 0x7F800000 : f32
    %broadcast_in_dim3A_340 = vector.broadcast %jit3A_339 : f32 to vector<128x64xf32>
    %select_n3A_341 = arith.select %eq3A_338, %broadcast_in_dim3A_340, %select_n3A_325 : vector<128x64xi1>, vector<128x64xf32>
    %reduce_min3A_342 = arith.constant dense<0x7F800000> : vector<128xf32>
    %reduce_min3A_343 = vector.multi_reduction <minimumf>, %select_n3A_341, %reduce_min3A_342 [1] : vector<128x64xf32> to vector<128xf32>
    %broadcast_in_dim3A_344 = vector.shape_cast %reduce_min3A_343 : vector<128xf32> to vector<128x1xf32>
    %eq3A_345 = vector.broadcast %broadcast_in_dim3A_344 : vector<128x1xf32> to vector<128x64xf32>
    %eq3A_346 = arith.cmpf oeq, %select_n3A_341, %eq3A_345 : vector<128x64xf32>
    %jit3A_347 = arith.constant 64 : i32
    %broadcast_in_dim3A_348 = vector.broadcast %jit3A_347 : i32 to vector<128x64xi32>
    %select_n3A_349 = arith.select %eq3A_346, %iota3A, %broadcast_in_dim3A_348 : vector<128x64xi1>, vector<128x64xi32>
    %reduce_min3A_350 = arith.constant dense<2147483647> : vector<128xi32>
    %reduce_min3A_351 = vector.multi_reduction <minsi>, %select_n3A_349, %reduce_min3A_350 [1] : vector<128x64xi32> to vector<128xi32>
    %broadcast_in_dim3A_352 = vector.shape_cast %reduce_min3A_351 : vector<128xi32> to vector<128x1xi32>
    %concatenate3A = tpu.concatenate %broadcast_in_dim3A_240, %broadcast_in_dim3A_256, %broadcast_in_dim3A_272, %broadcast_in_dim3A_288, %broadcast_in_dim3A_304, %broadcast_in_dim3A_320, %broadcast_in_dim3A_336, %broadcast_in_dim3A_352 in 1 : vector<128x1xi32>, vector<128x1xi32>, vector<128x1xi32>, vector<128x1xi32>, vector<128x1xi32>, vector<128x1xi32>, vector<128x1xi32>, vector<128x1xi32> -> vector<128x8xi32>
    %mul3A = arith.constant 128 : i32
    %mul3A_353 = arith.muli %arg0, %mul3A : i32
    %iota3A_354 = tpu.iota {dimensions = array<i32: 0>} : vector<128x1xi32>
    %add3A_355 = vector.broadcast %mul3A_353 : i32 to vector<128x1xi32>
    %add3A_356 = arith.addi %add3A_355, %iota3A_354 : vector<128x1xi32>
    %shift_right_arithmetic3A = arith.constant 1 : i32
    %shift_right_arithmetic3A_357 = vector.broadcast %shift_right_arithmetic3A : i32 to vector<128x8xi32>
    %shift_right_arithmetic3A_358 = arith.shrsi %concatenate3A, %shift_right_arithmetic3A_357 : vector<128x8xi32>
    %mul3A_359 = arith.constant 4096 : i32
    %mul3A_360 = vector.broadcast %mul3A_359 : i32 to vector<128x8xi32>
    %mul3A_361 = arith.muli %shift_right_arithmetic3A_358, %mul3A_360 : vector<128x8xi32>
    %mul3A_362 = arith.constant 2 : i32
    %mul3A_363 = vector.broadcast %mul3A_362 : i32 to vector<128x1xi32>
    %mul3A_364 = arith.muli %add3A_356, %mul3A_363 : vector<128x1xi32>
    %add3A_365 = vector.broadcast %mul3A_364 : vector<128x1xi32> to vector<128x8xi32>
    %add3A_366 = arith.addi %mul3A_361, %add3A_365 : vector<128x8xi32>
    %and3A = arith.constant 1 : i32
    %and3A_367 = vector.broadcast %and3A : i32 to vector<128x8xi32>
    %and3A_368 = arith.andi %concatenate3A, %and3A_367 : vector<128x8xi32>
    %add3A_369 = arith.addi %add3A_366, %and3A_368 : vector<128x8xi32>
    %swap3A_370 = arith.constant 0 : index
    %swap3A_371 = arith.constant 0 : index
    %swap3A_372 = vector.load %arg6[%swap3A_370, %swap3A_371] : memref<128x8xi32, #tpu.memory_space<vmem>>, vector<128x8xi32>
    tpu.vector_store %arg6[%swap3A_370, %swap3A_371], %add3A_369 {strides = array<i32>} : memref<128x8xi32, #tpu.memory_space<vmem>>, vector<128x8xi32>,
    return
  }
  func.func @transform_0(%arg0: i32) -> (i32, i32) {
    %c0_i32 = arith.constant 0 : i32
    %c0_i32_0 = arith.constant 0 : i32
    return %arg0, %c0_i32 : i32, i32
  }
  func.func @transform_1(%arg0: i32) -> (i32, i32) {
    %c0_i32 = arith.constant 0 : i32
    %c0_i32_0 = arith.constant 0 : i32
    return %arg0, %c0_i32 : i32, i32
  }
  func.func @transform_2(%arg0: i32) -> (i32, i32) {
    %c0_i32 = arith.constant 0 : i32
    %c0_i32_0 = arith.constant 0 : i32
    %c0_i32_1 = arith.constant 0 : i32
    return %c0_i32, %c0_i32_0 : i32, i32
  }
  func.func @transform_3(%arg0: i32) -> (i32, i32) {
    %c0_i32 = arith.constant 0 : i32
    %c0_i32_0 = arith.constant 0 : i32
    %c0_i32_1 = arith.constant 0 : i32
    return %c0_i32, %c0_i32_0 : i32, i32
  }
  func.func @transform_4(%arg0: i32) -> (i32, i32, i32) {
    %c0_i32 = arith.constant 0 : i32
    %c0_i32_0 = arith.constant 0 : i32
    %c0_i32_1 = arith.constant 0 : i32
    return %c0_i32, %arg0, %c0_i32_0 : i32, i32, i32
  }
  func.func @transform_5(%arg0: i32) -> (i32, i32) {
    %c0_i32 = arith.constant 0 : i32
    %c0_i32_0 = arith.constant 0 : i32
    return %arg0, %c0_i32 : i32, i32
  }
}

</mosaic_0001>

<sc_bundles>
// kernel: kernel.4.cloned.1.call-start
scs
__scs_entry_jumppad:
0x0: {  	(pc) =	sbr.rel $0x88, $3  }
0x1: {  	(tag) =	ssettag $0x0;
	lr =	simm.s32 $0x1  }
0x2: {  	[smem:$0x3F9E] =	sst lr;
	_ =	strace $0xD0000000  }
0x3: {  	_ = 	snop  }
0x4: {  	_ = 	snop  }
0x5: {  	_ = 	snop  }
0x6: {  	_ = 	snop  }
0x7: {  	_ = 	snop  }
__scs_overlays_trampoline_lowered:
0x8: {  	[smem:$0x3FAD] =	sst s0  }
0x9: {  	[smem:$0x3FAE] =	sst s1  }
0xa: {  	[smem:$0x3FAF] =	sst s2  }
0xb: {  	[smem:$0x3FB0] =	sst s3  }
0xc: {  	[smem:$0x3FB1] =	sst s4  }
0xd: {  	[smem:$0x3FB2] =	sst s5  }
0xe: {  	[smem:$0x3FB3] =	sst s6  }
0xf: {  	[smem:$0x3FB4] =	sst s7  }
0x10: {  	[smem:$0x3FB5] =	sst s8  }
0x11: {  	[smem:$0x3FB6] =	sst s9;
	s0 =	simm.s32 @!p0 $0x0  }
0x12: {  	s1 =	sld [smem:$0x3F9C];
	s0 =	simm.s32 @p0 $0x1  }
0x13: {  	[smem:$0x3FB7] =	sst s0;
	s0 =	simm.s32 @!p1 $0x0  }
0x14: {  	s2 =	sld [smem:$0x3F9B];
	s0 =	simm.s32 @p1 $0x1  }
0x15: {  	[smem:$0x3FB8] =	sst s0;
	s0 =	simm.s32 @!p2 $0x0  }
0x16: {  	s3 =	sld [smem:$0x3FDB];
	s0 =	simm.s32 @p2 $0x1  }
0x17: {  	s4 =	simm.s32 $0x1BF5;
	[smem:$0x3FBA] =	sst s0  }
0x18: {  	s0 =	sld [smem:$0x3F9D];
	_ =	swait.ge [sflag:s4], $0x0  }
0x19: {  	s7 =	sld [smem:$0x3F9E]  }
0x1a: {  	s8 =	sadd.s32 $0xFFFFE003, lr  }
0x1b: {  	s9 =	sadd.s32 $0xFFFFFEF7, lr;
	s5 =	simm.s32 $0xFFFFFFFF;
	p2 =	slt.u32 s8, $0xFFFFF086  }
0x1c: {  	p1 =	slt.u32 s9, $0xF7A;
	s5 =	simm.s32 @!p2 $0x0  }
0x1d: {  	s5 =	simm.s32 @p1 $0x1;
	p0 =	seq.s32 s7, s2  }
0x1e: {  	s7 =	smul.u32 @!p0 $0xF7A, s2;
	p2 =	seq.s32 @!p0 s5, $0x0  }
0x1f: {  	s9 =	smul.u32 $0xF7A, s1;
	s8 =	simm.s32 @!p0 $0x1BF5;
	p2 =	por !p2, p0  }
0x20: {  	[sflag:s8] =	ssyncset.s32 @!p0 $0xFFFFF086;
	s6 =	sadd.s32 @!p0 s3, s7;
	s7 =	simm.s32 @!p0 $0x108  }
0x21: {  	s3 =	sadd.s32 s3, s9;
	s6 =	sadd.s32 @!p0 $0x88, s6;
	s7 =	simm.s32 @p2 $0x1082  }
0x22: {  	[simem:s7], [sflag:s8] =	dma.local @!p0 [hbm:s6], $0xF7A  }
0x23: {  	s9 =	sor.u32 $0xD0000000, s2;
	s6 =	simm.s32 $0x108;
	_ =	swait.ge @!p0 [sflag:s8], $0x0  }
0x24: {  	s3 =	sadd.s32 $0x88, s3;
	s6 =	simm.s32 @!p1 $0x1082;
	[sflag:s4] =	ssyncset.s32 $0xFFFFF086  }
0x25: {  	[simem:s6], [sflag:s4] =	dma.local [hbm:s3], $0xF7A  }
0x26: {  	[smem:$0x3F9E] =	sst s1;
	(tag) =	ssettag s2;
	_ =	strace s9  }
0x27: {  	s1 =	sld [smem:$0x3FAE]  }
0x28: {  	s2 =	sld [smem:$0x3FAF]  }
0x29: {  	s4 =	sld [smem:$0x3FB1]  }
0x2a: {  	p0 =	seq.s32 s5, $0x0;
	s5 =	sld [smem:$0x3FB2]  }
0x2b: {  	s6 =	sld [smem:$0x3FB3]  }
0x2c: {  	s7 =	sld [smem:$0x3FB4]  }
0x2d: {  	s3 =	simm.s32 $0x108;
	s8 =	sld [smem:$0x3FB5]  }
0x2e: {  	s3 =	simm.s32 @!p0 $0x1082;
	s9 =	sld [smem:$0x3FB6]  }
0x2f: {  	lr =	sadd.s32 s0, s3;
	s0 =	sld [smem:$0x3FAD]  }
0x30: {  	s3 =	sld [smem:$0x3FB0]  }
0x31: {  	[smem:$0x3FB9] =	sst s10  }
0x32: {  	s10 =	sld [smem:$0x3FB7];
	_ =	sdelay $0x3  }
0x33: {  	p0 =	seq.s32 s10, $0x1;
	s10 =	sld [smem:$0x3FB9];
	_ =	sdelay $0x3  }
0x34: {  	[smem:$0x3FB9] =	sst s10  }
0x35: {  	s10 =	sld [smem:$0x3FB8];
	_ =	sdelay $0x3  }
0x36: {  	p1 =	seq.s32 s10, $0x1;
	s10 =	sld [smem:$0x3FB9];
	_ =	sdelay $0x3  }
0x37: {  	[smem:$0x3FB9] =	sst s10  }
0x38: {  	s10 =	sld [smem:$0x3FBA]  }
0x39: {  	_ = 	snop;
	(pc) =	sbr.ind lr, $3  }
0x3a: {  	_ = 	snop  }
0x3b: {  	_ = 	snop  }
0x3c: {  	p2 =	seq.s32 s10, $0x1;
	s10 =	sld [smem:$0x3FB9]  }
0x3d: {  	_ =	shalt  }
0x3e: {  	_ =	shalt  }
0x3f: {  	_ =	shalt  }
0x40: {  	_ =	shalt  }
0x41: {  	_ =	shalt  }
0x42: {  	_ =	shalt  }
0x43: {  	_ =	shalt  }
0x44: {  	_ =	shalt  }
0x45: {  	_ =	shalt  }
0x46: {  	_ =	shalt  }
0x47: {  	_ =	shalt  }
0x48: {  	_ =	shalt  }
0x49: {  	_ =	shalt  }
0x4a: {  	_ =	shalt  }
0x4b: {  	_ =	shalt  }
0x4c: {  	_ =	shalt  }
0x4d: {  	_ =	shalt  }
0x4e: {  	_ =	shalt  }
0x4f: {  	_ =	shalt  }
0x50: {  	_ =	shalt  }
0x51: {  	_ =	shalt  }
0x52: {  	_ =	shalt  }
0x53: {  	_ =	shalt  }
0x54: {  	_ =	shalt  }
0x55: {  	_ =	shalt  }
0x56: {  	_ =	shalt  }
0x57: {  	_ =	shalt  }
0x58: {  	_ =	shalt  }
0x59: {  	_ =	shalt  }
0x5a: {  	_ =	shalt  }
0x5b: {  	_ =	shalt  }
0x5c: {  	_ =	shalt  }
0x5d: {  	_ =	shalt  }
0x5e: {  	_ =	shalt  }
0x5f: {  	_ =	shalt  }
0x60: {  	_ =	shalt  }
0x61: {  	_ =	shalt  }
0x62: {  	_ =	shalt  }
0x63: {  	_ =	shalt  }
0x64: {  	_ =	shalt  }
0x65: {  	_ =	shalt  }
0x66: {  	_ =	shalt  }
0x67: {  	_ =	shalt  }
0x68: {  	_ =	shalt  }
0x69: {  	_ =	shalt  }
0x6a: {  	_ =	shalt  }
0x6b: {  	_ =	shalt  }
0x6c: {  	_ =	shalt  }
0x6d: {  	_ =	shalt  }
0x6e: {  	_ =	shalt  }
0x6f: {  	_ =	shalt  }
0x70: {  	_ =	shalt  }
0x71: {  	_ =	shalt  }
0x72: {  	_ =	shalt  }
0x73: {  	_ =	shalt  }
0x74: {  	_ =	shalt  }
0x75: {  	_ =	shalt  }
0x76: {  	_ =	shalt  }
0x77: {  	_ =	shalt  }
0x78: {  	_ =	shalt  }
0x79: {  	_ =	shalt  }
0x7a: {  	_ =	shalt  }
0x7b: {  	_ =	shalt  }
0x7c: {  	_ =	shalt  }
0x7d: {  	_ =	shalt  }
0x7e: {  	_ =	shalt  }
0x7f: {  	_ =	shalt  }
0x80: {  	_ =	shalt  }
0x81: {  	_ =	shalt  }
0x82: {  	_ =	shalt  }
0x83: {  	_ =	shalt  }
0x84: {  	_ =	shalt  }
0x85: {  	_ =	shalt  }
0x86: {  	_ =	shalt  }
0x87: {  	_ =	shalt  }
.Lfunc_end0:
.L_simem_size_0:
called_computation_lowered:
.L_overlay_start_0:
0x88: {  	s2 =	sld [smem:$0x3FD9]  }
0x89: {  	s3 =	sld [smem:$0x3FFE];
	_ =	sdelay $0x1  }
0x8a: {  	s1 =	srdreg.scid  }
0x8b: {  	s0 =	sand.u32 $0x1, s1  }
0x8c: {  	s17 =	sshll.u32 s0, $0xA;
	s2 =	sadd.s32 s3, s2  }
0x8d: {  	s2 =	sadd.s32 s2, s17  }
0x8e: {  	[smem:$0x3FC5] =	sst s2  }
0x8f: {  	_ = 	snop  }
0x90: {  	s2 =	sld [smem:$0x3FD0];
	(tm) =	ssettm $0x1  }
0x91: {  	s18 =	sld [smem:$0x3FFB];
	_ =	sdelay $0x3  }
0x92: {  	_ =	strace s18  }
0x93: {  	s3 =	sld [smem:$0x3FFC];
	_ =	sdelay $0x3  }
0x94: {  	_ =	strace s3  }
0x95: {  	s3 =	sld [smem:$0x3FFD];
	_ =	sdelay $0x3  }
0x96: {  	_ =	strace s3  }
0x97: {  	_ =	strace $0x8FFFFFFF  }
0x98: {  	s19 =	sld [smem:$0x3FDB];
	_ =	sdelay $0x1  }
0x99: {  	s4 =	simm.s32 $_scs_section_size  }
0x9a: {  	s5 =	simm.s32 $_size__tile_overlayer_lowered;
	s6 =	simm.s32 $_tile_overlayer_lowered  }
0x9b: {  	s22 =	simm.s32 $0x1BFF;
	s21 =	sshll.u32 s6, $0x1;
	s3 =	sadd.s32 s4, s19  }
0x9c: {  	s7 =	simm.s32 $0x0;
	s20 =	sshll.u32 s5, $0x1;
	s5 =	sadd.s32 s21, s3  }
0x9d: {  	[timem:s7], [sflag:s22] =	dma.local [hbm:s5], s20  }
0x9e: {  	_ =	swait.ge [sflag:s22], s20  }
0x9f: {  	s4 =	ssub.s32 $0x0, s20;
	[sflag:s22] =	ssyncset.done $0x0  }
0xa0: {  	[sflag:s22] =	ssyncadd.s32 s4;
	_ =	sdelay $0x1  }
0xa1: {  	s23 =	simm.s32 $0x1B8B  }
0xa2: {  	_ =	swait.ge [sflag:s23], $0x1  }
0xa3: {  	[sflag:s23] =	ssyncset.done $0x0  }
0xa4: {  	s25 =	simm.s32 $0x1B8E;
	s24 =	sld [smem:$0x3FFE];
	[sflag:s23] =	ssyncadd.s32 $0xFFFFFFFF  }
0xa5: {  	s26 =	simm.s32 $execute0_lowered;
	[smem:$0x3FD2] =	sst s25  }
0xa6: {  	s5 =	sshll.u32 s26, $0x1;
	_ =	strace $0x80000046;
	[dreg:$0x1] =	wrdreg $0xFFFFFFFF  }
0xa7: {  	s28 =	simm.s32 $_size_execute0_lowered;
	s3 =	sadd.s32 s3, s5;
	[dreg:$0x0] =	wrdreg $0x0  }
0xa8: {  	s5 =	sshll.u32 s28, $0x1;
	[dreg:$0x2] =	wrdreg s3  }
0xa9: {  	[dreg:$0x3] =	wrdreg s5  }
0xaa: {  	[dreg:$0x4] =	wrdreg $0xC0  }
0xab: {  	_ =	task [dreg:s7], $0x5FFFF  }
0xac: {  	[dreg:$0x1] =	wrdreg $0xFFFFFFFF  }
0xad: {  	[dreg:$0x0] =	wrdreg $0x60  }
0xae: {  	[dreg:$0x2] =	wrdreg s24  }
0xaf: {  	[dreg:$0x3] =	wrdreg s2  }
0xb0: {  	[dreg:$0x4] =	wrdreg $0x9  }
0xb1: {  	_ =	task.clear_ibuf [dreg:s7], $0x5FFFF;
	_ =	strace $0x90000046  }
0xb2: {  	s29 =	simm.s32 $0x9;
	_ =	strace $0x80000048  }
0xb3: {  	_ =	swait.ge [sflag:s29], $0x1  }
0xb4: {  	[sflag:s29] =	ssyncadd.s32 $0xFFFFFFFF  }
0xb5: {  	_ =	strace $0x90000048  }
0xb6: {  	_ =	sfence  }
0xb7: {  	s30 =	sld [smem:$0x0];
	_ =	sdelay $0x2  }
0xb8: {  	s31 =	sshll.u32 s1, $0xD;
	s1 =	sshrl.u32 s1, $0x2  }
0xb9: {  	s3 =	sand.u32 $0x4000, s31;
	s1 =	sadd.s32 s1, s30  }
0xba: {  	s0 =	sor.u32 s3, s0;
	s1 =	sshll.u32 s1, $0x11  }
0xbb: {  	s0 =	sor.u32 s1, s0  }
0xbc: {  	s0 =	sadd.s32 $0x8F2B, s0  }
0xbd: {  	[sflag:s0] =	ssyncadd.remote.s32 $0x1  }
0xbe: {  	_ =	sfence.sel $0xFFFF  }
0xbf: {  	[dreg:$0x0] =	wrdreg $0xFFFFFFFF;
	(pc) =	sbr.abs _section_cstart, $3  }
0xc0: {  	[dreg:$0x1] =	wrdreg $0xFFFFFFFF  }
0xc1: {  	_ =	task.clear_ibuf [dreg:s7], $0x2FFFF;
	_ =	strace $0x9FFFFFFF  }
0xc2: {  	(tm) =	ssettm $0x7FFFFFFF  }
0xc3: {  	_ =	shalt  }
tec
execute0_lowered:
.L_overlay_start_1:
0x0: {  	(tag) =	ssettag $0x1  }
0x1: {  	s1 =	srdreg.scid  }
0x2: {  	s0 =	stileid.u32;
	s14 =	sand.u32 $0x1, s1  }
0x3: {  	s5 =	rddreg [dreg:$0x0];
	s29 =	sshll.u32 s0, $0xA;
	s2 =	sshll.u32 s14, $0x9  }
0x4: {  	s15 =	rddreg [dreg:$0x1];
	s16 =	sor.u32 s2, s29  }
0x5: {  	s1 =	rddreg [dreg:$0x2];
	s2 =	simm.s32 $0x0;
	s3 =	sshrl.u32 s16, $0x3  }
0x6: {  	[smem:$0x7FF] =	sst s2;
	s3 =	sadd.s32 s3, s5  }
0x7: {  	_ =	strace $0x80000047;
	s4 =	sadd.s32 $0x100800, s3;
	s3 =	simm.s32 $0x2  }
0x8: {  	[tilespmem:s2], [sflag:$0x2] =	stream.linear.gather [hbm4b:s4+s2], $0x200, $0x38;
	[tilespmem:$0x8200] =	vst v63  }
0x9: {  	_ =	swait.ge [sflag:s3], $0x200  }
0xa: {  	s6 =	simm.s32 $0x80;
	[sflag:s3] =	ssyncset.done $0x0  }
0xb: {  	s7 =	simm.s32 $0x200;
	s5 =	sadd.s32 $0x800, s5;
	[sflag:s3] =	ssyncadd.s32 $0xFFFFFE00  }
0xc: {  	[tilespmem:s7], [sflag:$0x1] =	stream.indirect.gather [hbm4b:s5+s6], $0x40, s2, s6, $0xb8;
	[tilespmem:$0x8200] =	vst v63  }
0xd: {  	s8 =	simm.s32 $0x2200  }
0xe: {  	[tilespmem:s8], [sflag:$0x1] =	stream.indirect.gather [hbm4b:s5+s6], $0x40, s6, s6, $0xb8;
	[tilespmem:$0x8200] =	vst v63  }
0xf: {  	s9 =	simm.s32 $0x100;
	s10 =	simm.s32 $0x4200  }
0x10: {  	[tilespmem:s10], [sflag:$0x1] =	stream.indirect.gather [hbm4b:s5+s6], $0x40, s9, s6, $0xb8;
	[tilespmem:$0x8200] =	vst v63  }
0x11: {  	s11 =	simm.s32 $0x180;
	s12 =	simm.s32 $0x6200;
	s13 =	simm.s32 $0x1  }
0x12: {  	[tilespmem:s12], [sflag:$0x1] =	stream.indirect.gather [hbm4b:s5+s6], $0x40, s11, s6, $0xb8;
	[tilespmem:$0x8200] =	vst v63  }
0x13: {  	_ =	swait.ge [sflag:s13], $0x2000  }
0x14: {  	[sflag:s13] =	ssyncset.done $0x0  }
0x15: {  	[sflag:s13] =	ssyncadd.s32 $0xFFFFE000  }
0x16: {  	_ =	swait.ge [sflag:s13], $0x2000  }
0x17: {  	[sflag:s13] =	ssyncset.done $0x0  }
0x18: {  	s14 =	ssub.s32 $0x2, s14;
	[sflag:s13] =	ssyncadd.s32 $0xFFFFE000  }
0x19: {  	s17 =	sshrl.u32 s14, $0x1;
	_ =	swait.ge [sflag:s13], $0x2000  }
0x1a: {  	s17 =	ssub.s32 s14, s17;
	[sflag:s13] =	ssyncset.done $0x0  }
0x1b: {  	s31 =	smax.u32 s17, $0x1;
	[sflag:s13] =	ssyncadd.s32 $0xFFFFE000  }
0x1c: {  	p0 =	sne.s32 s31, $0x1;
	_ =	swait.ge [sflag:s13], $0x2000  }
.Ltmp0:
0x1d: {  	s30 =	sshll.u32 s16, $0x3;
	[sflag:s13] =	ssyncset.done $0x0;
	(pc) =	sbr.rel @!p0 .LBB2_2-.Ltmp0, $4  }
0x1e: {  	s14 =	sadd.s32 s15, s30;
	[sflag:s13] =	ssyncadd.s32 $0xFFFFE000  }
0x1f: {  	[hbm4b:s14+s2] =	stream.linear.scatter [tilespmem:s7], [sflag:$0x2], $0x8000, $0x38;
	[tilespmem:$0x8200] =	vst v63  }
0x20: {  	_ =	swait.ge [sflag:s3], $0x8000  }
0x21: {  	s15 =	sadd.s32 $0xFFFFFFFF, s31;
	[sflag:s3] =	ssyncset.done $0x0  }
.LBB2_1:
0x22: {  	p0 =	sne.s32 s15, $0x1;
	s15 =	sadd.s32 $0xFFFFFFFF, s15;
	[sflag:s3] =	ssyncadd.s32 $0xFFFF8000  }
0x23: {  	[tilespmem:s2], [sflag:$0x2] =	stream.linear.gather [hbm4b:s4+s2], $0x200, $0x38;
	[tilespmem:$0x8200] =	vst v63  }
0x24: {  	_ =	swait.ge [sflag:s3], $0x200  }
0x25: {  	[sflag:s3] =	ssyncset.done $0x0  }
0x26: {  	[sflag:s3] =	ssyncadd.s32 $0xFFFFFE00  }
0x27: {  	[tilespmem:s7], [sflag:$0x1] =	stream.indirect.gather [hbm4b:s5+s6], $0x40, s2, s6, $0xb8;
	[tilespmem:$0x8200] =	vst v63  }
0x28: {  	_ = 	snop  }
0x29: {  	[tilespmem:s8], [sflag:$0x1] =	stream.indirect.gather [hbm4b:s5+s6], $0x40, s6, s6, $0xb8;
	[tilespmem:$0x8200] =	vst v63  }
0x2a: {  	_ = 	snop  }
0x2b: {  	[tilespmem:s10], [sflag:$0x1] =	stream.indirect.gather [hbm4b:s5+s6], $0x40, s9, s6, $0xb8;
	[tilespmem:$0x8200] =	vst v63  }
0x2c: {  	_ = 	snop  }
0x2d: {  	[tilespmem:s12], [sflag:$0x1] =	stream.indirect.gather [hbm4b:s5+s6], $0x40, s11, s6, $0xb8;
	[tilespmem:$0x8200] =	vst v63  }
0x2e: {  	_ =	swait.ge [sflag:s13], $0x2000  }
0x2f: {  	[sflag:s13] =	ssyncset.done $0x0  }
0x30: {  	[sflag:s13] =	ssyncadd.s32 $0xFFFFE000  }
0x31: {  	_ =	swait.ge [sflag:s13], $0x2000  }
0x32: {  	[sflag:s13] =	ssyncset.done $0x0  }
0x33: {  	[sflag:s13] =	ssyncadd.s32 $0xFFFFE000  }
0x34: {  	_ =	swait.ge [sflag:s13], $0x2000  }
0x35: {  	[sflag:s13] =	ssyncset.done $0x0  }
0x36: {  	[sflag:s13] =	ssyncadd.s32 $0xFFFFE000  }
0x37: {  	_ =	swait.ge [sflag:s13], $0x2000  }
.Ltmp1:
0x38: {  	[sflag:s13] =	ssyncset.done $0x0;
	(pc) =	sbr.rel @p0 .LBB2_1-.Ltmp1, $4  }
0x39: {  	[sflag:s13] =	ssyncadd.s32 $0xFFFFE000  }
0x3a: {  	[hbm4b:s14+s2] =	stream.linear.scatter [tilespmem:s7], [sflag:$0x2], $0x8000, $0x38;
	[tilespmem:$0x8200] =	vst v63  }
0x3b: {  	_ =	swait.ge [sflag:s3], $0x8000  }
0x3c: {  	[sflag:s3] =	ssyncset.done $0x0  }
.LBB2_2:
0x3d: {  	[sflag:s3] =	ssyncadd.s32 $0xFFFF8000  }
0x3e: {  	_ =	sfence.sel $0x180000  }
0x3f: {  	[bflag:$0x0] =	sbarrier.arrive $0xFFFF  }
0x40: {  	p0 =	sne.s32 s0, $0x0;
	_ =	strace $0x90000047  }
0x41: {  	s0 =	sadd.s32 @!p0 $0x100000, s1;
	[bflag:$0x2] =	sbarrier.arrive $0xFFFF  }
0x42: {  	[sflag:s0] =	ssyncadd.tile.s32 @!p0 $0x1;
	_ =	shalt  }
.Lfunc_end2:
_tile_overlayer_lowered:
.L_overlay_start_2:
0x43: {  	(tag) =	ssettag $0x2  }
0x44: {  	s0 =	rddreg [dreg:$0x0];
	s2 =	stileid.u32  }
0x45: {  	s1 =	rddreg [dreg:$0x1];
	p0 =	sne.s32 s2, $0x0  }
0x46: {  	s3 =	rddreg [dreg:$0x2];
	[bflag:$0x3] =	sbarrier.arrive $0xFFFF;
	s2 =	simm.s32 @!p0 $0x1C02  }
0x47: {  	[timem:s3], [sflag:s2] =	dma.local @!p0 [hbm:s0], s1  }
0x48: {  	s0 =	simm.s32 @!p0 $0x2  }
0x49: {  	_ =	swait.ge @!p0 [sflag:s0], s1  }
0x4a: {  	s1 =	ssub.s32 @!p0 $0x0, s1;
	[sflag:s0] =	ssyncset.done @!p0 $0x0  }
0x4b: {  	[sflag:s0] =	ssyncadd.s32 @!p0 s1  }
0x4c: {  	[bflag:$0x3] =	sbarrier.arrive $0xFFFF  }
0x4d: {  	_ =	shalt  }

</sc_bundles>
